<compile_context>
chip_gen: v7x
topology: tpu7x:2x2x1
jax: 0.10.2.dev20260603
libtpu: 0.0.44.dev20260713+nightly
codegen_flags: <defaults>
</compile_context>

<pallas_src>
import functools

import jax
import jax.numpy as jnp
from jax import lax
from jax.experimental import pallas as pl
from jax.experimental.pallas import tpu as pltpu, tpu_sc as plsc

_NC = 2
_NS = 16
_L = 16
_NW = _NC * _NS

_N = 4096
_D = 8192

_N_SC = 1536
_N_TC = _N - _N_SC

_ROWS_PER_W = _N_SC // _NW
_BLK_ROWS = 4
_NBLK = _ROWS_PER_W // _BLK_ROWS
_SLICES = _D // _L
_UNROLL = 8
_INT_MAX = 2147483647

_TC_BLK = 128
_LBL_BITS = 13


def _permute(x, perm):
    return lax.gather(
        x, perm.reshape(_L, 1),
        lax.GatherDimensionNumbers(
            offset_dims=(), collapsed_slice_dims=(0,), start_index_map=(0,)),
        (1,), mode=lax.GatherScatterMode.PROMISE_IN_BOUNDS)


def _row_argmin(buf_ref, r):
    lane = lax.iota(jnp.int32, _L)

    def body(g, carry):
        bvs, bgs, gvec = carry
        bvs, bgs = list(bvs), list(bgs)
        base = g * (_UNROLL * _L)
        for u in range(_UNROLL):
            v = buf_ref[r, pl.ds(base + u * _L, _L)]
            m = v < bvs[u]
            bvs[u] = jnp.minimum(bvs[u], v)
            bgs[u] = jnp.where(m, gvec, bgs[u])
        return tuple(bvs), tuple(bgs), gvec + 1

    bv0 = jnp.full((_L,), jnp.inf, jnp.float32)
    bg0 = jnp.zeros((_L,), jnp.int32)
    gv0 = jnp.zeros((_L,), jnp.int32)
    bvs, bgs, _ = lax.fori_loop(
        0, _SLICES // _UNROLL, body,
        ((bv0,) * _UNROLL, (bg0,) * _UNROLL, gv0))

    def merge(av, ai, cv, ci):
        pick = (cv < av) | ((cv == av) & (ci < ai))
        return jnp.where(pick, cv, av), jnp.where(pick, ci, ai)

    bv = bi = None
    for c in range(_UNROLL):
        idx_c = bgs[c] * (_UNROLL * _L) + (lane + c * _L)
        if bv is None:
            bv, bi = bvs[c], idx_c
        else:
            bv, bi = merge(bv, bi, bvs[c], idx_c)

    for s in (8, 4, 2, 1):
        perm = lane ^ s
        ov = _permute(bv, perm)
        oi = _permute(bi, perm)
        pick = (ov < bv) | ((ov == bv) & (oi < bi))
        bv = jnp.where(pick, ov, bv)
        bi = jnp.where(pick, oi, bi)
    return bi


def _wtac_sc_body(dist_hbm, labels_hbm, out_hbm,
                  buf0, buf1, amin_v, lbl_v, sem0, sem1, semg):
    wid = lax.axis_index("s") * _NC + lax.axis_index("c")
    base = wid * _ROWS_PER_W

    bufs = (buf0, buf1)
    sems = (sem0, sem1)

    def start(blk, b):
        pltpu.async_copy(
            dist_hbm.at[pl.ds(base + blk * _BLK_ROWS, _BLK_ROWS), :],
            bufs[b], sems[b])

    start(0, 0)
    start(1, 1)

    lane = lax.iota(jnp.int32, _L)
    blk_per_g = _L // _BLK_ROWS

    def super_body(g, carry):
        acc = jnp.zeros((_L,), jnp.int32)
        for b in range(blk_per_g):
            blk = blk_per_g * g + b
            buf = bufs[b % 2]
            sem = sems[b % 2]
            pltpu.make_async_copy(
                dist_hbm.at[pl.ds(0, _BLK_ROWS), :], buf, sem).wait()

            def row_body(r, acc_c, buf=buf, b=b):
                ria = _row_argmin(buf, r)
                return jnp.where(lane == b * _BLK_ROWS + r, ria, acc_c)

            acc = lax.fori_loop(0, _BLK_ROWS, row_body, acc)

            @pl.when(blk + 2 < _NBLK)
            def _start_next():
                pltpu.async_copy(
                    dist_hbm.at[pl.ds(base + (blk + 2) * _BLK_ROWS,
                                      _BLK_ROWS), :],
                    bufs[b % 2], sems[b % 2])
        amin_v[pl.ds(g * _L, _L)] = acc
        return carry

    lax.fori_loop(0, _NBLK // blk_per_g, super_body, 0)

    pltpu.async_copy(labels_hbm.at[amin_v], lbl_v, semg).wait()
    pltpu.sync_copy(lbl_v, out_hbm.at[pl.ds(base, _ROWS_PER_W)])


def _wtac_tc_body(labels_ref, dist_ref, out_ref):
    v = dist_ref[...]
    lbl = labels_ref[...]
    rowmin = jnp.min(v, axis=1, keepdims=True)
    col = lax.broadcasted_iota(jnp.int32, (_TC_BLK, _D), 1)
    packed = (col << _LBL_BITS) | lbl[None, :]
    win = jnp.min(jnp.where(v == rowmin, packed, _INT_MAX), axis=1)
    out_ref[...] = win & ((1 << _LBL_BITS) - 1)


@jax.jit
def _wtac(distances, labels):
    mesh = plsc.VectorSubcoreMesh(core_axis_name="c", subcore_axis_name="s")
    sc_out = pl.kernel(
        _wtac_sc_body,
        out_type=jax.ShapeDtypeStruct((_N_SC,), jnp.int32),
        mesh=mesh,
        scratch_types=[
            pltpu.VMEM((_BLK_ROWS, _D), jnp.float32),
            pltpu.VMEM((_BLK_ROWS, _D), jnp.float32),
            pltpu.VMEM((_ROWS_PER_W,), jnp.int32),
            pltpu.VMEM((_ROWS_PER_W,), jnp.int32),
            pltpu.SemaphoreType.DMA,
            pltpu.SemaphoreType.DMA,
            pltpu.SemaphoreType.DMA,
        ],
    )(distances, labels)

    tc_out = pl.pallas_call(
        _wtac_tc_body,
        grid=(_N_TC // _TC_BLK,),
        in_specs=[
            pl.BlockSpec((_D,), lambda g: (0,)),
            pl.BlockSpec((_TC_BLK, _D), lambda g: (g + _N_SC // _TC_BLK, 0)),
        ],
        out_specs=pl.BlockSpec((_TC_BLK,), lambda g: (g,)),
        out_shape=jax.ShapeDtypeStruct((_N_TC,), jnp.int32),
    )(labels, distances)

    return jnp.concatenate([sc_out, tc_out])


def kernel(distances, labels):
    return _wtac(distances, labels.astype(jnp.int32))

# --- scband reference (transcript-rebuilt; emitter-appended) ---
"""Pipeline reference for scband-wtac-75763223102126 (READ-ONLY COPY).

The authoritative reference and input builder live on the scoring server;
editing this copy changes nothing except your own understanding.
"""

import jax, jax.numpy as jnp
import numpy as np


def setup_inputs(seed: int = 0) -> dict:
    key = jax.random.key(seed)
    k1, k2 = jax.random.split(key)
    distances = jax.random.normal(k1, (4096, 8192), dtype=jnp.float32)
    labels = jax.random.randint(k2, (8192,), 0, 1000, dtype=jnp.int64)
    return {"distances": distances, "labels": labels}


def reference(distances, labels):
    # Winner-Takes-All-Competition: argmin over prototypes, gather labels.
    winning_indices = jnp.argmin(distances, axis=1)
    winning_labels = jnp.squeeze(jnp.take(labels, winning_indices, axis=0))
    return winning_labels

if __name__ == "__main__":
    import jax
    _d = setup_inputs()
    print(jax.jit(kernel)(*tuple(_d.values())))

</pallas_src>

<mosaic_0001>
#map = affine_map<(d0, d1) -> (0, 0)>
#map1 = affine_map<(d0, d1) -> (0)>
module attributes {stable_mosaic.version = 14 : i64} {
  func.func @_wtac_sc_body(%arg0: i32, %arg1: i32, %arg2: memref<4096x8192xf32, #tpu.memory_space<hbm>>, %arg3: memref<8192xi32, #tpu.memory_space<hbm>>, %arg4: memref<1536xi32, #tpu.memory_space<hbm>>, %arg5: memref<4x8192xf32, #tpu.memory_space<vmem>>, %arg6: memref<4x8192xf32, #tpu.memory_space<vmem>>, %arg7: memref<48xi32, #tpu.memory_space<vmem>>, %arg8: memref<48xi32, #tpu.memory_space<vmem>>, %arg9: memref<!tpu.dma_semaphore, #tpu.memory_space<semaphore_mem>>, %arg10: memref<!tpu.dma_semaphore, #tpu.memory_space<semaphore_mem>>, %arg11: memref<!tpu.dma_semaphore, #tpu.memory_space<semaphore_mem>>) attributes {dimension_semantics = [#tpu.dimension_semantics<core_parallel>, #tpu.dimension_semantics<subcore_parallel>], iteration_bounds = array<i64: 2, 16>, scalar_prefetch = 0 : i64, scratch_operands = 7 : i64, tpu.core_type = #tpu.core_type<sc_vector_subcore>, window_params = [{transform_indices = #map}, {transform_indices = #map1}, {transform_indices = #map1}]} {
    %mul3A = arith.constant 2 : i32
    %mul3A_0 = arith.muli %arg1, %mul3A : i32
    %add3A = arith.addi %mul3A_0, %arg0 : i32
    %mul3A_1 = arith.constant 48 : i32
    %mul3A_2 = arith.muli %add3A, %mul3A_1 : i32
    %add3A_3 = arith.constant 0 : i32
    %add3A_4 = arith.addi %mul3A_2, %add3A_3 : i32
    %dma_start3A = arith.constant 0 : i32
    %dma_start3A_5 = tpu.memref_slice %arg2[%add3A_4, %dma_start3A] : memref<4096x8192xf32, #tpu.memory_space<hbm>> -> memref<4x8192xf32, #tpu.memory_space<hbm>>
    %dma_start3A_6 = arith.constant 0 : i32
    %dma_start3A_7 = tpu.memref_slice %arg2[%add3A_4, %dma_start3A_6] : memref<4096x8192xf32, #tpu.memory_space<hbm>> -> memref<4x8192xf32, #tpu.memory_space<hbm>>
    tpu.enqueue_dma source(%dma_start3A_7 : memref<4x8192xf32, #tpu.memory_space<hbm>>) target(%arg5 : memref<4x8192xf32, #tpu.memory_space<vmem>>) target_semaphore(%arg9 : memref<!tpu.dma_semaphore, #tpu.memory_space<semaphore_mem>>)
    %add3A_8 = arith.constant 4 : i32
    %add3A_9 = arith.addi %mul3A_2, %add3A_8 : i32
    %dma_start3A_10 = arith.constant 0 : i32
    %dma_start3A_11 = tpu.memref_slice %arg2[%add3A_9, %dma_start3A_10] : memref<4096x8192xf32, #tpu.memory_space<hbm>> -> memref<4x8192xf32, #tpu.memory_space<hbm>>
    %dma_start3A_12 = arith.constant 0 : i32
    %dma_start3A_13 = tpu.memref_slice %arg2[%add3A_9, %dma_start3A_12] : memref<4096x8192xf32, #tpu.memory_space<hbm>> -> memref<4x8192xf32, #tpu.memory_space<hbm>>
    tpu.enqueue_dma source(%dma_start3A_13 : memref<4x8192xf32, #tpu.memory_space<hbm>>) target(%arg6 : memref<4x8192xf32, #tpu.memory_space<vmem>>) target_semaphore(%arg10 : memref<!tpu.dma_semaphore, #tpu.memory_space<semaphore_mem>>)
    %iota3A = tpu.iota {dimensions = array<i32: 0>} : vector<16xi32>
    %scan3A = arith.constant 0 : i32
    %scan3A_14 = arith.constant 0 : i32
    %scan3A_15 = arith.constant 3 : i32
    %scan3A_16 = arith.addi %scan3A_14, %scan3A_15 : i32
    %scan3A_17 = arith.constant 1 : i32
    scf.for %scan3A_22 = %scan3A_14 to %scan3A_16 step %scan3A_17  : i32 {
      %broadcast_in_dim3A = arith.constant 0 : i32
      %broadcast_in_dim3A_23 = vector.broadcast %broadcast_in_dim3A : i32 to vector<16xi32>
      %mul3A_24 = arith.constant 4 : i32
      %mul3A_25 = arith.muli %mul3A_24, %scan3A_22 : i32
      %add3A_26 = arith.constant 0 : i32
      %add3A_27 = arith.addi %mul3A_25, %add3A_26 : i32
      %dma_wait3A_28 = arith.constant 0 : i32
      %dma_wait3A_29 = arith.constant 0 : i32
      %dma_wait3A_30 = tpu.memref_slice %arg2[%dma_wait3A_28, %dma_wait3A_29] : memref<4096x8192xf32, #tpu.memory_space<hbm>> -> memref<4x8192xf32, #tpu.memory_space<hbm>>
      %dma_wait3A_31 = arith.constant 0 : i32
      %dma_wait3A_32 = arith.constant 0 : i32
      %dma_wait3A_33 = tpu.memref_slice %arg2[%dma_wait3A_31, %dma_wait3A_32] : memref<4096x8192xf32, #tpu.memory_space<hbm>> -> memref<4x8192xf32, #tpu.memory_space<hbm>>
      tpu.wait_dma2 semaphore(%arg9 : memref<!tpu.dma_semaphore, #tpu.memory_space<semaphore_mem>>) src(%dma_wait3A_33 : memref<4x8192xf32, #tpu.memory_space<hbm>>) dst(%arg5 : memref<4x8192xf32, #tpu.memory_space<vmem>>)
      %scan3A_34 = arith.constant 0 : i32
      %scan3A_35 = arith.constant 4 : i32
      %scan3A_36 = arith.addi %scan3A_34, %scan3A_35 : i32
      %scan3A_37 = arith.constant 1 : i32
      %scan3A_38 = scf.for %scan3A_118 = %scan3A_34 to %scan3A_36 step %scan3A_37 iter_args(%scan3A_119 = %broadcast_in_dim3A_23) -> (vector<16xi32>)  : i32 {
        %iota3A_120 = tpu.iota {dimensions = array<i32: 0>} : vector<16xi32>
        %broadcast_in_dim3A_121 = arith.constant 0x7F800000 : f32
        %broadcast_in_dim3A_122 = vector.broadcast %broadcast_in_dim3A_121 : f32 to vector<16xf32>
        %broadcast_in_dim3A_123 = arith.constant 0 : i32
        %broadcast_in_dim3A_124 = vector.broadcast %broadcast_in_dim3A_123 : i32 to vector<16xi32>
        %broadcast_in_dim3A_125 = arith.constant 0 : i32
        %broadcast_in_dim3A_126 = vector.broadcast %broadcast_in_dim3A_125 : i32 to vector<16xi32>
        %scan3A_127 = arith.constant 0 : i32
        %scan3A_128 = arith.constant 64 : i32
        %scan3A_129 = arith.addi %scan3A_127, %scan3A_128 : i32
        %scan3A_130 = arith.constant 1 : i32
        %scan3A_131:17 = scf.for %scan3A_300 = %scan3A_127 to %scan3A_129 step %scan3A_130 iter_args(%scan3A_301 = %broadcast_in_dim3A_122, %scan3A_302 = %broadcast_in_dim3A_122, %scan3A_303 = %broadcast_in_dim3A_122, %scan3A_304 = %broadcast_in_dim3A_122, %scan3A_305 = %broadcast_in_dim3A_122, %scan3A_306 = %broadcast_in_dim3A_122, %scan3A_307 = %broadcast_in_dim3A_122, %scan3A_308 = %broadcast_in_dim3A_122, %scan3A_309 = %broadcast_in_dim3A_124, %scan3A_310 = %broadcast_in_dim3A_124, %scan3A_311 = %broadcast_in_dim3A_124, %scan3A_312 = %broadcast_in_dim3A_124, %scan3A_313 = %broadcast_in_dim3A_124, %scan3A_314 = %broadcast_in_dim3A_124, %scan3A_315 = %broadcast_in_dim3A_124, %scan3A_316 = %broadcast_in_dim3A_124, %scan3A_317 = %broadcast_in_dim3A_126) -> (vector<16xf32>, vector<16xf32>, vector<16xf32>, vector<16xf32>, vector<16xf32>, vector<16xf32>, vector<16xf32>, vector<16xf32>, vector<16xi32>, vector<16xi32>, vector<16xi32>, vector<16xi32>, vector<16xi32>, vector<16xi32>, vector<16xi32>, vector<16xi32>, vector<16xi32>)  : i32 {
          %mul3A_318 = arith.constant 128 : i32
          %mul3A_319 = arith.muli %scan3A_300, %mul3A_318 : i32
          %add3A_320 = arith.constant 0 : i32
          %add3A_321 = arith.addi %mul3A_319, %add3A_320 : i32
          %get3A = arith.index_cast %scan3A_118 : i32 to index
          %get3A_322 = arith.index_cast %add3A_321 : i32 to index
          %get3A_323 = tpu.vector_load %arg5[%get3A, %get3A_322] {strides = array<i32>} : memref<4x8192xf32, #tpu.memory_space<vmem>>, vector<1x16xf32>,
          %get3A_324 = vector.shape_cast %get3A_323 : vector<1x16xf32> to vector<16xf32>
          %lt3A_325 = arith.cmpf olt, %get3A_324, %scan3A_301 : vector<16xf32>
          %min3A = arith.minimumf %scan3A_301, %get3A_324 : vector<16xf32>
          %select_n3A_326 = arith.select %lt3A_325, %scan3A_317, %scan3A_309 : vector<16xi1>, vector<16xi32>
          %add3A_327 = arith.constant 16 : i32
          %add3A_328 = arith.addi %mul3A_319, %add3A_327 : i32
          %get3A_329 = arith.index_cast %scan3A_118 : i32 to index
          %get3A_330 = arith.index_cast %add3A_328 : i32 to index
          %get3A_331 = tpu.vector_load %arg5[%get3A_329, %get3A_330] {strides = array<i32>} : memref<4x8192xf32, #tpu.memory_space<vmem>>, vector<1x16xf32>,
          %get3A_332 = vector.shape_cast %get3A_331 : vector<1x16xf32> to vector<16xf32>
          %lt3A_333 = arith.cmpf olt, %get3A_332, %scan3A_302 : vector<16xf32>
          %min3A_334 = arith.minimumf %scan3A_302, %get3A_332 : vector<16xf32>
          %select_n3A_335 = arith.select %lt3A_333, %scan3A_317, %scan3A_310 : vector<16xi1>, vector<16xi32>
          %add3A_336 = arith.constant 32 : i32
          %add3A_337 = arith.addi %mul3A_319, %add3A_336 : i32
          %get3A_338 = arith.index_cast %scan3A_118 : i32 to index
          %get3A_339 = arith.index_cast %add3A_337 : i32 to index
          %get3A_340 = tpu.vector_load %arg5[%get3A_338, %get3A_339] {strides = array<i32>} : memref<4x8192xf32, #tpu.memory_space<vmem>>, vector<1x16xf32>,
          %get3A_341 = vector.shape_cast %get3A_340 : vector<1x16xf32> to vector<16xf32>
          %lt3A_342 = arith.cmpf olt, %get3A_341, %scan3A_303 : vector<16xf32>
          %min3A_343 = arith.minimumf %scan3A_303, %get3A_341 : vector<16xf32>
          %select_n3A_344 = arith.select %lt3A_342, %scan3A_317, %scan3A_311 : vector<16xi1>, vector<16xi32>
          %add3A_345 = arith.constant 48 : i32
          %add3A_346 = arith.addi %mul3A_319, %add3A_345 : i32
          %get3A_347 = arith.index_cast %scan3A_118 : i32 to index
          %get3A_348 = arith.index_cast %add3A_346 : i32 to index
          %get3A_349 = tpu.vector_load %arg5[%get3A_347, %get3A_348] {strides = array<i32>} : memref<4x8192xf32, #tpu.memory_space<vmem>>, vector<1x16xf32>,
          %get3A_350 = vector.shape_cast %get3A_349 : vector<1x16xf32> to vector<16xf32>
          %lt3A_351 = arith.cmpf olt, %get3A_350, %scan3A_304 : vector<16xf32>
          %min3A_352 = arith.minimumf %scan3A_304, %get3A_350 : vector<16xf32>
          %select_n3A_353 = arith.select %lt3A_351, %scan3A_317, %scan3A_312 : vector<16xi1>, vector<16xi32>
          %add3A_354 = arith.constant 64 : i32
          %add3A_355 = arith.addi %mul3A_319, %add3A_354 : i32
          %get3A_356 = arith.index_cast %scan3A_118 : i32 to index
          %get3A_357 = arith.index_cast %add3A_355 : i32 to index
          %get3A_358 = tpu.vector_load %arg5[%get3A_356, %get3A_357] {strides = array<i32>} : memref<4x8192xf32, #tpu.memory_space<vmem>>, vector<1x16xf32>,
          %get3A_359 = vector.shape_cast %get3A_358 : vector<1x16xf32> to vector<16xf32>
          %lt3A_360 = arith.cmpf olt, %get3A_359, %scan3A_305 : vector<16xf32>
          %min3A_361 = arith.minimumf %scan3A_305, %get3A_359 : vector<16xf32>
          %select_n3A_362 = arith.select %lt3A_360, %scan3A_317, %scan3A_313 : vector<16xi1>, vector<16xi32>
          %add3A_363 = arith.constant 80 : i32
          %add3A_364 = arith.addi %mul3A_319, %add3A_363 : i32
          %get3A_365 = arith.index_cast %scan3A_118 : i32 to index
          %get3A_366 = arith.index_cast %add3A_364 : i32 to index
          %get3A_367 = tpu.vector_load %arg5[%get3A_365, %get3A_366] {strides = array<i32>} : memref<4x8192xf32, #tpu.memory_space<vmem>>, vector<1x16xf32>,
          %get3A_368 = vector.shape_cast %get3A_367 : vector<1x16xf32> to vector<16xf32>
          %lt3A_369 = arith.cmpf olt, %get3A_368, %scan3A_306 : vector<16xf32>
          %min3A_370 = arith.minimumf %scan3A_306, %get3A_368 : vector<16xf32>
          %select_n3A_371 = arith.select %lt3A_369, %scan3A_317, %scan3A_314 : vector<16xi1>, vector<16xi32>
          %add3A_372 = arith.constant 96 : i32
          %add3A_373 = arith.addi %mul3A_319, %add3A_372 : i32
          %get3A_374 = arith.index_cast %scan3A_118 : i32 to index
          %get3A_375 = arith.index_cast %add3A_373 : i32 to index
          %get3A_376 = tpu.vector_load %arg5[%get3A_374, %get3A_375] {strides = array<i32>} : memref<4x8192xf32, #tpu.memory_space<vmem>>, vector<1x16xf32>,
          %get3A_377 = vector.shape_cast %get3A_376 : vector<1x16xf32> to vector<16xf32>
          %lt3A_378 = arith.cmpf olt, %get3A_377, %scan3A_307 : vector<16xf32>
          %min3A_379 = arith.minimumf %scan3A_307, %get3A_377 : vector<16xf32>
          %select_n3A_380 = arith.select %lt3A_378, %scan3A_317, %scan3A_315 : vector<16xi1>, vector<16xi32>
          %add3A_381 = arith.constant 112 : i32
          %add3A_382 = arith.addi %mul3A_319, %add3A_381 : i32
          %get3A_383 = arith.index_cast %scan3A_118 : i32 to index
          %get3A_384 = arith.index_cast %add3A_382 : i32 to index
          %get3A_385 = tpu.vector_load %arg5[%get3A_383, %get3A_384] {strides = array<i32>} : memref<4x8192xf32, #tpu.memory_space<vmem>>, vector<1x16xf32>,
          %get3A_386 = vector.shape_cast %get3A_385 : vector<1x16xf32> to vector<16xf32>
          %lt3A_387 = arith.cmpf olt, %get3A_386, %scan3A_308 : vector<16xf32>
          %min3A_388 = arith.minimumf %scan3A_308, %get3A_386 : vector<16xf32>
          %select_n3A_389 = arith.select %lt3A_387, %scan3A_317, %scan3A_316 : vector<16xi1>, vector<16xi32>
          %add3A_390 = arith.constant 1 : i32
          %add3A_391 = vector.broadcast %add3A_390 : i32 to vector<16xi32>
          %add3A_392 = arith.addi %scan3A_317, %add3A_391 : vector<16xi32>
          scf.yield %min3A, %min3A_334, %min3A_343, %min3A_352, %min3A_361, %min3A_370, %min3A_379, %min3A_388, %select_n3A_326, %select_n3A_335, %select_n3A_344, %select_n3A_353, %select_n3A_362, %select_n3A_371, %select_n3A_380, %select_n3A_389, %add3A_392 : vector<16xf32>, vector<16xf32>, vector<16xf32>, vector<16xf32>, vector<16xf32>, vector<16xf32>, vector<16xf32>, vector<16xf32>, vector<16xi32>, vector<16xi32>, vector<16xi32>, vector<16xi32>, vector<16xi32>, vector<16xi32>, vector<16xi32>, vector<16xi32>, vector<16xi32>
        }
        %scan3A_132 = arith.constant 64 : i32
        %mul3A_133 = arith.constant 128 : i32
        %mul3A_134 = vector.broadcast %mul3A_133 : i32 to vector<16xi32>
        %mul3A_135 = arith.muli %scan3A_131#8, %mul3A_134 : vector<16xi32>
        %add3A_136 = arith.constant 0 : i32
        %add3A_137 = vector.broadcast %add3A_136 : i32 to vector<16xi32>
        %add3A_138 = arith.addi %iota3A_120, %add3A_137 : vector<16xi32>
        %add3A_139 = arith.addi %mul3A_135, %add3A_138 : vector<16xi32>
        %mul3A_140 = arith.constant 128 : i32
        %mul3A_141 = vector.broadcast %mul3A_140 : i32 to vector<16xi32>
        %mul3A_142 = arith.muli %scan3A_131#9, %mul3A_141 : vector<16xi32>
        %add3A_143 = arith.constant 16 : i32
        %add3A_144 = vector.broadcast %add3A_143 : i32 to vector<16xi32>
        %add3A_145 = arith.addi %iota3A_120, %add3A_144 : vector<16xi32>
        %add3A_146 = arith.addi %mul3A_142, %add3A_145 : vector<16xi32>
        %lt3A_147 = arith.cmpf olt, %scan3A_131#1, %scan3A_131#0 : vector<16xf32>
        %eq3A = arith.cmpf oeq, %scan3A_131#1, %scan3A_131#0 : vector<16xf32>
        %lt3A_148 = arith.cmpi slt, %add3A_146, %add3A_139 : vector<16xi32>
        %and3A = arith.andi %eq3A, %lt3A_148 : vector<16xi1>
        %or3A = arith.ori %lt3A_147, %and3A : vector<16xi1>
        %select_n3A = arith.select %or3A, %scan3A_131#1, %scan3A_131#0 : vector<16xi1>, vector<16xf32>
        %select_n3A_149 = arith.select %or3A, %add3A_146, %add3A_139 : vector<16xi1>, vector<16xi32>
        %mul3A_150 = arith.constant 128 : i32
        %mul3A_151 = vector.broadcast %mul3A_150 : i32 to vector<16xi32>
        %mul3A_152 = arith.muli %scan3A_131#10, %mul3A_151 : vector<16xi32>
        %add3A_153 = arith.constant 32 : i32
        %add3A_154 = vector.broadcast %add3A_153 : i32 to vector<16xi32>
        %add3A_155 = arith.addi %iota3A_120, %add3A_154 : vector<16xi32>
        %add3A_156 = arith.addi %mul3A_152, %add3A_155 : vector<16xi32>
        %lt3A_157 = arith.cmpf olt, %scan3A_131#2, %select_n3A : vector<16xf32>
        %eq3A_158 = arith.cmpf oeq, %scan3A_131#2, %select_n3A : vector<16xf32>
        %lt3A_159 = arith.cmpi slt, %add3A_156, %select_n3A_149 : vector<16xi32>
        %and3A_160 = arith.andi %eq3A_158, %lt3A_159 : vector<16xi1>
        %or3A_161 = arith.ori %lt3A_157, %and3A_160 : vector<16xi1>
        %select_n3A_162 = arith.select %or3A_161, %scan3A_131#2, %select_n3A : vector<16xi1>, vector<16xf32>
        %select_n3A_163 = arith.select %or3A_161, %add3A_156, %select_n3A_149 : vector<16xi1>, vector<16xi32>
        %mul3A_164 = arith.constant 128 : i32
        %mul3A_165 = vector.broadcast %mul3A_164 : i32 to vector<16xi32>
        %mul3A_166 = arith.muli %scan3A_131#11, %mul3A_165 : vector<16xi32>
        %add3A_167 = arith.constant 48 : i32
        %add3A_168 = vector.broadcast %add3A_167 : i32 to vector<16xi32>
        %add3A_169 = arith.addi %iota3A_120, %add3A_168 : vector<16xi32>
        %add3A_170 = arith.addi %mul3A_166, %add3A_169 : vector<16xi32>
        %lt3A_171 = arith.cmpf olt, %scan3A_131#3, %select_n3A_162 : vector<16xf32>
        %eq3A_172 = arith.cmpf oeq, %scan3A_131#3, %select_n3A_162 : vector<16xf32>
        %lt3A_173 = arith.cmpi slt, %add3A_170, %select_n3A_163 : vector<16xi32>
        %and3A_174 = arith.andi %eq3A_172, %lt3A_173 : vector<16xi1>
        %or3A_175 = arith.ori %lt3A_171, %and3A_174 : vector<16xi1>
        %select_n3A_176 = arith.select %or3A_175, %scan3A_131#3, %select_n3A_162 : vector<16xi1>, vector<16xf32>
        %select_n3A_177 = arith.select %or3A_175, %add3A_170, %select_n3A_163 : vector<16xi1>, vector<16xi32>
        %mul3A_178 = arith.constant 128 : i32
        %mul3A_179 = vector.broadcast %mul3A_178 : i32 to vector<16xi32>
        %mul3A_180 = arith.muli %scan3A_131#12, %mul3A_179 : vector<16xi32>
        %add3A_181 = arith.constant 64 : i32
        %add3A_182 = vector.broadcast %add3A_181 : i32 to vector<16xi32>
        %add3A_183 = arith.addi %iota3A_120, %add3A_182 : vector<16xi32>
        %add3A_184 = arith.addi %mul3A_180, %add3A_183 : vector<16xi32>
        %lt3A_185 = arith.cmpf olt, %scan3A_131#4, %select_n3A_176 : vector<16xf32>
        %eq3A_186 = arith.cmpf oeq, %scan3A_131#4, %select_n3A_176 : vector<16xf32>
        %lt3A_187 = arith.cmpi slt, %add3A_184, %select_n3A_177 : vector<16xi32>
        %and3A_188 = arith.andi %eq3A_186, %lt3A_187 : vector<16xi1>
        %or3A_189 = arith.ori %lt3A_185, %and3A_188 : vector<16xi1>
        %select_n3A_190 = arith.select %or3A_189, %scan3A_131#4, %select_n3A_176 : vector<16xi1>, vector<16xf32>
        %select_n3A_191 = arith.select %or3A_189, %add3A_184, %select_n3A_177 : vector<16xi1>, vector<16xi32>
        %mul3A_192 = arith.constant 128 : i32
        %mul3A_193 = vector.broadcast %mul3A_192 : i32 to vector<16xi32>
        %mul3A_194 = arith.muli %scan3A_131#13, %mul3A_193 : vector<16xi32>
        %add3A_195 = arith.constant 80 : i32
        %add3A_196 = vector.broadcast %add3A_195 : i32 to vector<16xi32>
        %add3A_197 = arith.addi %iota3A_120, %add3A_196 : vector<16xi32>
        %add3A_198 = arith.addi %mul3A_194, %add3A_197 : vector<16xi32>
        %lt3A_199 = arith.cmpf olt, %scan3A_131#5, %select_n3A_190 : vector<16xf32>
        %eq3A_200 = arith.cmpf oeq, %scan3A_131#5, %select_n3A_190 : vector<16xf32>
        %lt3A_201 = arith.cmpi slt, %add3A_198, %select_n3A_191 : vector<16xi32>
        %and3A_202 = arith.andi %eq3A_200, %lt3A_201 : vector<16xi1>
        %or3A_203 = arith.ori %lt3A_199, %and3A_202 : vector<16xi1>
        %select_n3A_204 = arith.select %or3A_203, %scan3A_131#5, %select_n3A_190 : vector<16xi1>, vector<16xf32>
        %select_n3A_205 = arith.select %or3A_203, %add3A_198, %select_n3A_191 : vector<16xi1>, vector<16xi32>
        %mul3A_206 = arith.constant 128 : i32
        %mul3A_207 = vector.broadcast %mul3A_206 : i32 to vector<16xi32>
        %mul3A_208 = arith.muli %scan3A_131#14, %mul3A_207 : vector<16xi32>
        %add3A_209 = arith.constant 96 : i32
        %add3A_210 = vector.broadcast %add3A_209 : i32 to vector<16xi32>
        %add3A_211 = arith.addi %iota3A_120, %add3A_210 : vector<16xi32>
        %add3A_212 = arith.addi %mul3A_208, %add3A_211 : vector<16xi32>
        %lt3A_213 = arith.cmpf olt, %scan3A_131#6, %select_n3A_204 : vector<16xf32>
        %eq3A_214 = arith.cmpf oeq, %scan3A_131#6, %select_n3A_204 : vector<16xf32>
        %lt3A_215 = arith.cmpi slt, %add3A_212, %select_n3A_205 : vector<16xi32>
        %and3A_216 = arith.andi %eq3A_214, %lt3A_215 : vector<16xi1>
        %or3A_217 = arith.ori %lt3A_213, %and3A_216 : vector<16xi1>
        %select_n3A_218 = arith.select %or3A_217, %scan3A_131#6, %select_n3A_204 : vector<16xi1>, vector<16xf32>
        %select_n3A_219 = arith.select %or3A_217, %add3A_212, %select_n3A_205 : vector<16xi1>, vector<16xi32>
        %mul3A_220 = arith.constant 128 : i32
        %mul3A_221 = vector.broadcast %mul3A_220 : i32 to vector<16xi32>
        %mul3A_222 = arith.muli %scan3A_131#15, %mul3A_221 : vector<16xi32>
        %add3A_223 = arith.constant 112 : i32
        %add3A_224 = vector.broadcast %add3A_223 : i32 to vector<16xi32>
        %add3A_225 = arith.addi %iota3A_120, %add3A_224 : vector<16xi32>
        %add3A_226 = arith.addi %mul3A_222, %add3A_225 : vector<16xi32>
        %lt3A_227 = arith.cmpf olt, %scan3A_131#7, %select_n3A_218 : vector<16xf32>
        %eq3A_228 = arith.cmpf oeq, %scan3A_131#7, %select_n3A_218 : vector<16xf32>
        %lt3A_229 = arith.cmpi slt, %add3A_226, %select_n3A_219 : vector<16xi32>
        %and3A_230 = arith.andi %eq3A_228, %lt3A_229 : vector<16xi1>
        %or3A_231 = arith.ori %lt3A_227, %and3A_230 : vector<16xi1>
        %select_n3A_232 = arith.select %or3A_231, %scan3A_131#7, %select_n3A_218 : vector<16xi1>, vector<16xf32>
        %select_n3A_233 = arith.select %or3A_231, %add3A_226, %select_n3A_219 : vector<16xi1>, vector<16xi32>
        %xor3A = arith.constant 8 : i32
        %xor3A_234 = vector.broadcast %xor3A : i32 to vector<16xi32>
        %xor3A_235 = arith.xori %iota3A_120, %xor3A_234 : vector<16xi32>
        %reshape3A = vector.shape_cast %xor3A_235 : vector<16xi32> to vector<16x1xi32>
        %gather3A = vector.shape_cast %reshape3A : vector<16x1xi32> to vector<16xi32>
        %gather3A_236 = tpu.dynamic_gather %select_n3A_232[%gather3A] in [0] : vector<16xf32>, vector<16xi32> -> vector<16xf32>
        %reshape3A_237 = vector.shape_cast %xor3A_235 : vector<16xi32> to vector<16x1xi32>
        %gather3A_238 = vector.shape_cast %reshape3A_237 : vector<16x1xi32> to vector<16xi32>
        %gather3A_239 = tpu.dynamic_gather %select_n3A_233[%gather3A_238] in [0] : vector<16xi32>, vector<16xi32> -> vector<16xi32>
        %lt3A_240 = arith.cmpf olt, %gather3A_236, %select_n3A_232 : vector<16xf32>
        %eq3A_241 = arith.cmpf oeq, %gather3A_236, %select_n3A_232 : vector<16xf32>
        %lt3A_242 = arith.cmpi slt, %gather3A_239, %select_n3A_233 : vector<16xi32>
        %and3A_243 = arith.andi %eq3A_241, %lt3A_242 : vector<16xi1>
        %or3A_244 = arith.ori %lt3A_240, %and3A_243 : vector<16xi1>
        %select_n3A_245 = arith.select %or3A_244, %gather3A_236, %select_n3A_232 : vector<16xi1>, vector<16xf32>
        %select_n3A_246 = arith.select %or3A_244, %gather3A_239, %select_n3A_233 : vector<16xi1>, vector<16xi32>
        %xor3A_247 = arith.constant 4 : i32
        %xor3A_248 = vector.broadcast %xor3A_247 : i32 to vector<16xi32>
        %xor3A_249 = arith.xori %iota3A_120, %xor3A_248 : vector<16xi32>
        %reshape3A_250 = vector.shape_cast %xor3A_249 : vector<16xi32> to vector<16x1xi32>
        %gather3A_251 = vector.shape_cast %reshape3A_250 : vector<16x1xi32> to vector<16xi32>
        %gather3A_252 = tpu.dynamic_gather %select_n3A_245[%gather3A_251] in [0] : vector<16xf32>, vector<16xi32> -> vector<16xf32>
        %reshape3A_253 = vector.shape_cast %xor3A_249 : vector<16xi32> to vector<16x1xi32>
        %gather3A_254 = vector.shape_cast %reshape3A_253 : vector<16x1xi32> to vector<16xi32>
        %gather3A_255 = tpu.dynamic_gather %select_n3A_246[%gather3A_254] in [0] : vector<16xi32>, vector<16xi32> -> vector<16xi32>
        %lt3A_256 = arith.cmpf olt, %gather3A_252, %select_n3A_245 : vector<16xf32>
        %eq3A_257 = arith.cmpf oeq, %gather3A_252, %select_n3A_245 : vector<16xf32>
        %lt3A_258 = arith.cmpi slt, %gather3A_255, %select_n3A_246 : vector<16xi32>
        %and3A_259 = arith.andi %eq3A_257, %lt3A_258 : vector<16xi1>
        %or3A_260 = arith.ori %lt3A_256, %and3A_259 : vector<16xi1>
        %select_n3A_261 = arith.select %or3A_260, %gather3A_252, %select_n3A_245 : vector<16xi1>, vector<16xf32>
        %select_n3A_262 = arith.select %or3A_260, %gather3A_255, %select_n3A_246 : vector<16xi1>, vector<16xi32>
        %xor3A_263 = arith.constant 2 : i32
        %xor3A_264 = vector.broadcast %xor3A_263 : i32 to vector<16xi32>
        %xor3A_265 = arith.xori %iota3A_120, %xor3A_264 : vector<16xi32>
        %reshape3A_266 = vector.shape_cast %xor3A_265 : vector<16xi32> to vector<16x1xi32>
        %gather3A_267 = vector.shape_cast %reshape3A_266 : vector<16x1xi32> to vector<16xi32>
        %gather3A_268 = tpu.dynamic_gather %select_n3A_261[%gather3A_267] in [0] : vector<16xf32>, vector<16xi32> -> vector<16xf32>
        %reshape3A_269 = vector.shape_cast %xor3A_265 : vector<16xi32> to vector<16x1xi32>
        %gather3A_270 = vector.shape_cast %reshape3A_269 : vector<16x1xi32> to vector<16xi32>
        %gather3A_271 = tpu.dynamic_gather %select_n3A_262[%gather3A_270] in [0] : vector<16xi32>, vector<16xi32> -> vector<16xi32>
        %lt3A_272 = arith.cmpf olt, %gather3A_268, %select_n3A_261 : vector<16xf32>
        %eq3A_273 = arith.cmpf oeq, %gather3A_268, %select_n3A_261 : vector<16xf32>
        %lt3A_274 = arith.cmpi slt, %gather3A_271, %select_n3A_262 : vector<16xi32>
        %and3A_275 = arith.andi %eq3A_273, %lt3A_274 : vector<16xi1>
        %or3A_276 = arith.ori %lt3A_272, %and3A_275 : vector<16xi1>
        %select_n3A_277 = arith.select %or3A_276, %gather3A_268, %select_n3A_261 : vector<16xi1>, vector<16xf32>
        %select_n3A_278 = arith.select %or3A_276, %gather3A_271, %select_n3A_262 : vector<16xi1>, vector<16xi32>
        %xor3A_279 = arith.constant 1 : i32
        %xor3A_280 = vector.broadcast %xor3A_279 : i32 to vector<16xi32>
        %xor3A_281 = arith.xori %iota3A_120, %xor3A_280 : vector<16xi32>
        %reshape3A_282 = vector.shape_cast %xor3A_281 : vector<16xi32> to vector<16x1xi32>
        %gather3A_283 = vector.shape_cast %reshape3A_282 : vector<16x1xi32> to vector<16xi32>
        %gather3A_284 = tpu.dynamic_gather %select_n3A_277[%gather3A_283] in [0] : vector<16xf32>, vector<16xi32> -> vector<16xf32>
        %reshape3A_285 = vector.shape_cast %xor3A_281 : vector<16xi32> to vector<16x1xi32>
        %gather3A_286 = vector.shape_cast %reshape3A_285 : vector<16x1xi32> to vector<16xi32>
        %gather3A_287 = tpu.dynamic_gather %select_n3A_278[%gather3A_286] in [0] : vector<16xi32>, vector<16xi32> -> vector<16xi32>
        %lt3A_288 = arith.cmpf olt, %gather3A_284, %select_n3A_277 : vector<16xf32>
        %eq3A_289 = arith.cmpf oeq, %gather3A_284, %select_n3A_277 : vector<16xf32>
        %lt3A_290 = arith.cmpi slt, %gather3A_287, %select_n3A_278 : vector<16xi32>
        %and3A_291 = arith.andi %eq3A_289, %lt3A_290 : vector<16xi1>
        %or3A_292 = arith.ori %lt3A_288, %and3A_291 : vector<16xi1>
        %select_n3A_293 = arith.select %or3A_292, %gather3A_284, %select_n3A_277 : vector<16xi1>, vector<16xf32>
        %select_n3A_294 = arith.select %or3A_292, %gather3A_287, %select_n3A_278 : vector<16xi1>, vector<16xi32>
        %add3A_295 = arith.constant 0 : i32
        %add3A_296 = arith.addi %add3A_295, %scan3A_118 : i32
        %eq3A_297 = vector.broadcast %add3A_296 : i32 to vector<16xi32>
        %eq3A_298 = arith.cmpi eq, %iota3A, %eq3A_297 : vector<16xi32>
        %select_n3A_299 = arith.select %eq3A_298, %select_n3A_294, %scan3A_119 : vector<16xi1>, vector<16xi32>
        scf.yield %select_n3A_299 : vector<16xi32>
      }
      %scan3A_39 = arith.constant 4 : i32
      %add3A_40 = arith.constant 2 : i32
      %add3A_41 = arith.addi %add3A_27, %add3A_40 : i32
      %lt3A = arith.constant 12 : i32
      %lt3A_42 = arith.cmpi slt, %add3A_41, %lt3A : i32
      %convert_element_type3A = arith.extui %lt3A_42 : i1 to i32
      %cond3A = arith.constant 0 : i32
      %cond3A_43 = arith.cmpi ne, %convert_element_type3A, %cond3A : i32
      scf.if %cond3A_43 {
        %add3A_118 = arith.constant 2 : i32
        %add3A_119 = arith.addi %add3A_27, %add3A_118 : i32
        %mul3A_120 = arith.constant 4 : i32
        %mul3A_121 = arith.muli %add3A_119, %mul3A_120 : i32
        %add3A_122 = arith.addi %mul3A_2, %mul3A_121 : i32
        %dma_start3A_123 = arith.constant 0 : i32
        %dma_start3A_124 = tpu.memref_slice %arg2[%add3A_122, %dma_start3A_123] : memref<4096x8192xf32, #tpu.memory_space<hbm>> -> memref<4x8192xf32, #tpu.memory_space<hbm>>
        %dma_start3A_125 = arith.constant 0 : i32
        %dma_start3A_126 = tpu.memref_slice %arg2[%add3A_122, %dma_start3A_125] : memref<4096x8192xf32, #tpu.memory_space<hbm>> -> memref<4x8192xf32, #tpu.memory_space<hbm>>
        tpu.enqueue_dma source(%dma_start3A_126 : memref<4x8192xf32, #tpu.memory_space<hbm>>) target(%arg5 : memref<4x8192xf32, #tpu.memory_space<vmem>>) target_semaphore(%arg9 : memref<!tpu.dma_semaphore, #tpu.memory_space<semaphore_mem>>)
      } else {
      }
      %mul3A_44 = arith.constant 4 : i32
      %mul3A_45 = arith.muli %mul3A_44, %scan3A_22 : i32
      %add3A_46 = arith.constant 1 : i32
      %add3A_47 = arith.addi %mul3A_45, %add3A_46 : i32
      %dma_wait3A_48 = arith.constant 0 : i32
      %dma_wait3A_49 = arith.constant 0 : i32
      %dma_wait3A_50 = tpu.memref_slice %arg2[%dma_wait3A_48, %dma_wait3A_49] : memref<4096x8192xf32, #tpu.memory_space<hbm>> -> memref<4x8192xf32, #tpu.memory_space<hbm>>
      %dma_wait3A_51 = arith.constant 0 : i32
      %dma_wait3A_52 = arith.constant 0 : i32
      %dma_wait3A_53 = tpu.memref_slice %arg2[%dma_wait3A_51, %dma_wait3A_52] : memref<4096x8192xf32, #tpu.memory_space<hbm>> -> memref<4x8192xf32, #tpu.memory_space<hbm>>
      tpu.wait_dma2 semaphore(%arg10 : memref<!tpu.dma_semaphore, #tpu.memory_space<semaphore_mem>>) src(%dma_wait3A_53 : memref<4x8192xf32, #tpu.memory_space<hbm>>) dst(%arg6 : memref<4x8192xf32, #tpu.memory_space<vmem>>)
      %scan3A_54 = arith.constant 0 : i32
      %scan3A_55 = arith.constant 4 : i32
      %scan3A_56 = arith.addi %scan3A_54, %scan3A_55 : i32
      %scan3A_57 = arith.constant 1 : i32
      %scan3A_58 = scf.for %scan3A_118 = %scan3A_54 to %scan3A_56 step %scan3A_57 iter_args(%scan3A_119 = %scan3A_38) -> (vector<16xi32>)  : i32 {
        %iota3A_120 = tpu.iota {dimensions = array<i32: 0>} : vector<16xi32>
        %broadcast_in_dim3A_121 = arith.constant 0x7F800000 : f32
        %broadcast_in_dim3A_122 = vector.broadcast %broadcast_in_dim3A_121 : f32 to vector<16xf32>
        %broadcast_in_dim3A_123 = arith.constant 0 : i32
        %broadcast_in_dim3A_124 = vector.broadcast %broadcast_in_dim3A_123 : i32 to vector<16xi32>
        %broadcast_in_dim3A_125 = arith.constant 0 : i32
        %broadcast_in_dim3A_126 = vector.broadcast %broadcast_in_dim3A_125 : i32 to vector<16xi32>
        %scan3A_127 = arith.constant 0 : i32
        %scan3A_128 = arith.constant 64 : i32
        %scan3A_129 = arith.addi %scan3A_127, %scan3A_128 : i32
        %scan3A_130 = arith.constant 1 : i32
        %scan3A_131:17 = scf.for %scan3A_300 = %scan3A_127 to %scan3A_129 step %scan3A_130 iter_args(%scan3A_301 = %broadcast_in_dim3A_122, %scan3A_302 = %broadcast_in_dim3A_122, %scan3A_303 = %broadcast_in_dim3A_122, %scan3A_304 = %broadcast_in_dim3A_122, %scan3A_305 = %broadcast_in_dim3A_122, %scan3A_306 = %broadcast_in_dim3A_122, %scan3A_307 = %broadcast_in_dim3A_122, %scan3A_308 = %broadcast_in_dim3A_122, %scan3A_309 = %broadcast_in_dim3A_124, %scan3A_310 = %broadcast_in_dim3A_124, %scan3A_311 = %broadcast_in_dim3A_124, %scan3A_312 = %broadcast_in_dim3A_124, %scan3A_313 = %broadcast_in_dim3A_124, %scan3A_314 = %broadcast_in_dim3A_124, %scan3A_315 = %broadcast_in_dim3A_124, %scan3A_316 = %broadcast_in_dim3A_124, %scan3A_317 = %broadcast_in_dim3A_126) -> (vector<16xf32>, vector<16xf32>, vector<16xf32>, vector<16xf32>, vector<16xf32>, vector<16xf32>, vector<16xf32>, vector<16xf32>, vector<16xi32>, vector<16xi32>, vector<16xi32>, vector<16xi32>, vector<16xi32>, vector<16xi32>, vector<16xi32>, vector<16xi32>, vector<16xi32>)  : i32 {
          %mul3A_318 = arith.constant 128 : i32
          %mul3A_319 = arith.muli %scan3A_300, %mul3A_318 : i32
          %add3A_320 = arith.constant 0 : i32
          %add3A_321 = arith.addi %mul3A_319, %add3A_320 : i32
          %get3A = arith.index_cast %scan3A_118 : i32 to index
          %get3A_322 = arith.index_cast %add3A_321 : i32 to index
          %get3A_323 = tpu.vector_load %arg6[%get3A, %get3A_322] {strides = array<i32>} : memref<4x8192xf32, #tpu.memory_space<vmem>>, vector<1x16xf32>,
          %get3A_324 = vector.shape_cast %get3A_323 : vector<1x16xf32> to vector<16xf32>
          %lt3A_325 = arith.cmpf olt, %get3A_324, %scan3A_301 : vector<16xf32>
          %min3A = arith.minimumf %scan3A_301, %get3A_324 : vector<16xf32>
          %select_n3A_326 = arith.select %lt3A_325, %scan3A_317, %scan3A_309 : vector<16xi1>, vector<16xi32>
          %add3A_327 = arith.constant 16 : i32
          %add3A_328 = arith.addi %mul3A_319, %add3A_327 : i32
          %get3A_329 = arith.index_cast %scan3A_118 : i32 to index
          %get3A_330 = arith.index_cast %add3A_328 : i32 to index
          %get3A_331 = tpu.vector_load %arg6[%get3A_329, %get3A_330] {strides = array<i32>} : memref<4x8192xf32, #tpu.memory_space<vmem>>, vector<1x16xf32>,
          %get3A_332 = vector.shape_cast %get3A_331 : vector<1x16xf32> to vector<16xf32>
          %lt3A_333 = arith.cmpf olt, %get3A_332, %scan3A_302 : vector<16xf32>
          %min3A_334 = arith.minimumf %scan3A_302, %get3A_332 : vector<16xf32>
          %select_n3A_335 = arith.select %lt3A_333, %scan3A_317, %scan3A_310 : vector<16xi1>, vector<16xi32>
          %add3A_336 = arith.constant 32 : i32
          %add3A_337 = arith.addi %mul3A_319, %add3A_336 : i32
          %get3A_338 = arith.index_cast %scan3A_118 : i32 to index
          %get3A_339 = arith.index_cast %add3A_337 : i32 to index
          %get3A_340 = tpu.vector_load %arg6[%get3A_338, %get3A_339] {strides = array<i32>} : memref<4x8192xf32, #tpu.memory_space<vmem>>, vector<1x16xf32>,
          %get3A_341 = vector.shape_cast %get3A_340 : vector<1x16xf32> to vector<16xf32>
          %lt3A_342 = arith.cmpf olt, %get3A_341, %scan3A_303 : vector<16xf32>
          %min3A_343 = arith.minimumf %scan3A_303, %get3A_341 : vector<16xf32>
          %select_n3A_344 = arith.select %lt3A_342, %scan3A_317, %scan3A_311 : vector<16xi1>, vector<16xi32>
          %add3A_345 = arith.constant 48 : i32
          %add3A_346 = arith.addi %mul3A_319, %add3A_345 : i32
          %get3A_347 = arith.index_cast %scan3A_118 : i32 to index
          %get3A_348 = arith.index_cast %add3A_346 : i32 to index
          %get3A_349 = tpu.vector_load %arg6[%get3A_347, %get3A_348] {strides = array<i32>} : memref<4x8192xf32, #tpu.memory_space<vmem>>, vector<1x16xf32>,
          %get3A_350 = vector.shape_cast %get3A_349 : vector<1x16xf32> to vector<16xf32>
          %lt3A_351 = arith.cmpf olt, %get3A_350, %scan3A_304 : vector<16xf32>
          %min3A_352 = arith.minimumf %scan3A_304, %get3A_350 : vector<16xf32>
          %select_n3A_353 = arith.select %lt3A_351, %scan3A_317, %scan3A_312 : vector<16xi1>, vector<16xi32>
          %add3A_354 = arith.constant 64 : i32
          %add3A_355 = arith.addi %mul3A_319, %add3A_354 : i32
          %get3A_356 = arith.index_cast %scan3A_118 : i32 to index
          %get3A_357 = arith.index_cast %add3A_355 : i32 to index
          %get3A_358 = tpu.vector_load %arg6[%get3A_356, %get3A_357] {strides = array<i32>} : memref<4x8192xf32, #tpu.memory_space<vmem>>, vector<1x16xf32>,
          %get3A_359 = vector.shape_cast %get3A_358 : vector<1x16xf32> to vector<16xf32>
          %lt3A_360 = arith.cmpf olt, %get3A_359, %scan3A_305 : vector<16xf32>
          %min3A_361 = arith.minimumf %scan3A_305, %get3A_359 : vector<16xf32>
          %select_n3A_362 = arith.select %lt3A_360, %scan3A_317, %scan3A_313 : vector<16xi1>, vector<16xi32>
          %add3A_363 = arith.constant 80 : i32
          %add3A_364 = arith.addi %mul3A_319, %add3A_363 : i32
          %get3A_365 = arith.index_cast %scan3A_118 : i32 to index
          %get3A_366 = arith.index_cast %add3A_364 : i32 to index
          %get3A_367 = tpu.vector_load %arg6[%get3A_365, %get3A_366] {strides = array<i32>} : memref<4x8192xf32, #tpu.memory_space<vmem>>, vector<1x16xf32>,
          %get3A_368 = vector.shape_cast %get3A_367 : vector<1x16xf32> to vector<16xf32>
          %lt3A_369 = arith.cmpf olt, %get3A_368, %scan3A_306 : vector<16xf32>
          %min3A_370 = arith.minimumf %scan3A_306, %get3A_368 : vector<16xf32>
          %select_n3A_371 = arith.select %lt3A_369, %scan3A_317, %scan3A_314 : vector<16xi1>, vector<16xi32>
          %add3A_372 = arith.constant 96 : i32
          %add3A_373 = arith.addi %mul3A_319, %add3A_372 : i32
          %get3A_374 = arith.index_cast %scan3A_118 : i32 to index
          %get3A_375 = arith.index_cast %add3A_373 : i32 to index
          %get3A_376 = tpu.vector_load %arg6[%get3A_374, %get3A_375] {strides = array<i32>} : memref<4x8192xf32, #tpu.memory_space<vmem>>, vector<1x16xf32>,
          %get3A_377 = vector.shape_cast %get3A_376 : vector<1x16xf32> to vector<16xf32>
          %lt3A_378 = arith.cmpf olt, %get3A_377, %scan3A_307 : vector<16xf32>
          %min3A_379 = arith.minimumf %scan3A_307, %get3A_377 : vector<16xf32>
          %select_n3A_380 = arith.select %lt3A_378, %scan3A_317, %scan3A_315 : vector<16xi1>, vector<16xi32>
          %add3A_381 = arith.constant 112 : i32
          %add3A_382 = arith.addi %mul3A_319, %add3A_381 : i32
          %get3A_383 = arith.index_cast %scan3A_118 : i32 to index
          %get3A_384 = arith.index_cast %add3A_382 : i32 to index
          %get3A_385 = tpu.vector_load %arg6[%get3A_383, %get3A_384] {strides = array<i32>} : memref<4x8192xf32, #tpu.memory_space<vmem>>, vector<1x16xf32>,
          %get3A_386 = vector.shape_cast %get3A_385 : vector<1x16xf32> to vector<16xf32>
          %lt3A_387 = arith.cmpf olt, %get3A_386, %scan3A_308 : vector<16xf32>
          %min3A_388 = arith.minimumf %scan3A_308, %get3A_386 : vector<16xf32>
          %select_n3A_389 = arith.select %lt3A_387, %scan3A_317, %scan3A_316 : vector<16xi1>, vector<16xi32>
          %add3A_390 = arith.constant 1 : i32
          %add3A_391 = vector.broadcast %add3A_390 : i32 to vector<16xi32>
          %add3A_392 = arith.addi %scan3A_317, %add3A_391 : vector<16xi32>
          scf.yield %min3A, %min3A_334, %min3A_343, %min3A_352, %min3A_361, %min3A_370, %min3A_379, %min3A_388, %select_n3A_326, %select_n3A_335, %select_n3A_344, %select_n3A_353, %select_n3A_362, %select_n3A_371, %select_n3A_380, %select_n3A_389, %add3A_392 : vector<16xf32>, vector<16xf32>, vector<16xf32>, vector<16xf32>, vector<16xf32>, vector<16xf32>, vector<16xf32>, vector<16xf32>, vector<16xi32>, vector<16xi32>, vector<16xi32>, vector<16xi32>, vector<16xi32>, vector<16xi32>, vector<16xi32>, vector<16xi32>, vector<16xi32>
        }
        %scan3A_132 = arith.constant 64 : i32
        %mul3A_133 = arith.constant 128 : i32
        %mul3A_134 = vector.broadcast %mul3A_133 : i32 to vector<16xi32>
        %mul3A_135 = arith.muli %scan3A_131#8, %mul3A_134 : vector<16xi32>
        %add3A_136 = arith.constant 0 : i32
        %add3A_137 = vector.broadcast %add3A_136 : i32 to vector<16xi32>
        %add3A_138 = arith.addi %iota3A_120, %add3A_137 : vector<16xi32>
        %add3A_139 = arith.addi %mul3A_135, %add3A_138 : vector<16xi32>
        %mul3A_140 = arith.constant 128 : i32
        %mul3A_141 = vector.broadcast %mul3A_140 : i32 to vector<16xi32>
        %mul3A_142 = arith.muli %scan3A_131#9, %mul3A_141 : vector<16xi32>
        %add3A_143 = arith.constant 16 : i32
        %add3A_144 = vector.broadcast %add3A_143 : i32 to vector<16xi32>
        %add3A_145 = arith.addi %iota3A_120, %add3A_144 : vector<16xi32>
        %add3A_146 = arith.addi %mul3A_142, %add3A_145 : vector<16xi32>
        %lt3A_147 = arith.cmpf olt, %scan3A_131#1, %scan3A_131#0 : vector<16xf32>
        %eq3A = arith.cmpf oeq, %scan3A_131#1, %scan3A_131#0 : vector<16xf32>
        %lt3A_148 = arith.cmpi slt, %add3A_146, %add3A_139 : vector<16xi32>
        %and3A = arith.andi %eq3A, %lt3A_148 : vector<16xi1>
        %or3A = arith.ori %lt3A_147, %and3A : vector<16xi1>
        %select_n3A = arith.select %or3A, %scan3A_131#1, %scan3A_131#0 : vector<16xi1>, vector<16xf32>
        %select_n3A_149 = arith.select %or3A, %add3A_146, %add3A_139 : vector<16xi1>, vector<16xi32>
        %mul3A_150 = arith.constant 128 : i32
        %mul3A_151 = vector.broadcast %mul3A_150 : i32 to vector<16xi32>
        %mul3A_152 = arith.muli %scan3A_131#10, %mul3A_151 : vector<16xi32>
        %add3A_153 = arith.constant 32 : i32
        %add3A_154 = vector.broadcast %add3A_153 : i32 to vector<16xi32>
        %add3A_155 = arith.addi %iota3A_120, %add3A_154 : vector<16xi32>
        %add3A_156 = arith.addi %mul3A_152, %add3A_155 : vector<16xi32>
        %lt3A_157 = arith.cmpf olt, %scan3A_131#2, %select_n3A : vector<16xf32>
        %eq3A_158 = arith.cmpf oeq, %scan3A_131#2, %select_n3A : vector<16xf32>
        %lt3A_159 = arith.cmpi slt, %add3A_156, %select_n3A_149 : vector<16xi32>
        %and3A_160 = arith.andi %eq3A_158, %lt3A_159 : vector<16xi1>
        %or3A_161 = arith.ori %lt3A_157, %and3A_160 : vector<16xi1>
        %select_n3A_162 = arith.select %or3A_161, %scan3A_131#2, %select_n3A : vector<16xi1>, vector<16xf32>
        %select_n3A_163 = arith.select %or3A_161, %add3A_156, %select_n3A_149 : vector<16xi1>, vector<16xi32>
        %mul3A_164 = arith.constant 128 : i32
        %mul3A_165 = vector.broadcast %mul3A_164 : i32 to vector<16xi32>
        %mul3A_166 = arith.muli %scan3A_131#11, %mul3A_165 : vector<16xi32>
        %add3A_167 = arith.constant 48 : i32
        %add3A_168 = vector.broadcast %add3A_167 : i32 to vector<16xi32>
        %add3A_169 = arith.addi %iota3A_120, %add3A_168 : vector<16xi32>
        %add3A_170 = arith.addi %mul3A_166, %add3A_169 : vector<16xi32>
        %lt3A_171 = arith.cmpf olt, %scan3A_131#3, %select_n3A_162 : vector<16xf32>
        %eq3A_172 = arith.cmpf oeq, %scan3A_131#3, %select_n3A_162 : vector<16xf32>
        %lt3A_173 = arith.cmpi slt, %add3A_170, %select_n3A_163 : vector<16xi32>
        %and3A_174 = arith.andi %eq3A_172, %lt3A_173 : vector<16xi1>
        %or3A_175 = arith.ori %lt3A_171, %and3A_174 : vector<16xi1>
        %select_n3A_176 = arith.select %or3A_175, %scan3A_131#3, %select_n3A_162 : vector<16xi1>, vector<16xf32>
        %select_n3A_177 = arith.select %or3A_175, %add3A_170, %select_n3A_163 : vector<16xi1>, vector<16xi32>
        %mul3A_178 = arith.constant 128 : i32
        %mul3A_179 = vector.broadcast %mul3A_178 : i32 to vector<16xi32>
        %mul3A_180 = arith.muli %scan3A_131#12, %mul3A_179 : vector<16xi32>
        %add3A_181 = arith.constant 64 : i32
        %add3A_182 = vector.broadcast %add3A_181 : i32 to vector<16xi32>
        %add3A_183 = arith.addi %iota3A_120, %add3A_182 : vector<16xi32>
        %add3A_184 = arith.addi %mul3A_180, %add3A_183 : vector<16xi32>
        %lt3A_185 = arith.cmpf olt, %scan3A_131#4, %select_n3A_176 : vector<16xf32>
        %eq3A_186 = arith.cmpf oeq, %scan3A_131#4, %select_n3A_176 : vector<16xf32>
        %lt3A_187 = arith.cmpi slt, %add3A_184, %select_n3A_177 : vector<16xi32>
        %and3A_188 = arith.andi %eq3A_186, %lt3A_187 : vector<16xi1>
        %or3A_189 = arith.ori %lt3A_185, %and3A_188 : vector<16xi1>
        %select_n3A_190 = arith.select %or3A_189, %scan3A_131#4, %select_n3A_176 : vector<16xi1>, vector<16xf32>
        %select_n3A_191 = arith.select %or3A_189, %add3A_184, %select_n3A_177 : vector<16xi1>, vector<16xi32>
        %mul3A_192 = arith.constant 128 : i32
        %mul3A_193 = vector.broadcast %mul3A_192 : i32 to vector<16xi32>
        %mul3A_194 = arith.muli %scan3A_131#13, %mul3A_193 : vector<16xi32>
        %add3A_195 = arith.constant 80 : i32
        %add3A_196 = vector.broadcast %add3A_195 : i32 to vector<16xi32>
        %add3A_197 = arith.addi %iota3A_120, %add3A_196 : vector<16xi32>
        %add3A_198 = arith.addi %mul3A_194, %add3A_197 : vector<16xi32>
        %lt3A_199 = arith.cmpf olt, %scan3A_131#5, %select_n3A_190 : vector<16xf32>
        %eq3A_200 = arith.cmpf oeq, %scan3A_131#5, %select_n3A_190 : vector<16xf32>
        %lt3A_201 = arith.cmpi slt, %add3A_198, %select_n3A_191 : vector<16xi32>
        %and3A_202 = arith.andi %eq3A_200, %lt3A_201 : vector<16xi1>
        %or3A_203 = arith.ori %lt3A_199, %and3A_202 : vector<16xi1>
        %select_n3A_204 = arith.select %or3A_203, %scan3A_131#5, %select_n3A_190 : vector<16xi1>, vector<16xf32>
        %select_n3A_205 = arith.select %or3A_203, %add3A_198, %select_n3A_191 : vector<16xi1>, vector<16xi32>
        %mul3A_206 = arith.constant 128 : i32
        %mul3A_207 = vector.broadcast %mul3A_206 : i32 to vector<16xi32>
        %mul3A_208 = arith.muli %scan3A_131#14, %mul3A_207 : vector<16xi32>
        %add3A_209 = arith.constant 96 : i32
        %add3A_210 = vector.broadcast %add3A_209 : i32 to vector<16xi32>
        %add3A_211 = arith.addi %iota3A_120, %add3A_210 : vector<16xi32>
        %add3A_212 = arith.addi %mul3A_208, %add3A_211 : vector<16xi32>
        %lt3A_213 = arith.cmpf olt, %scan3A_131#6, %select_n3A_204 : vector<16xf32>
        %eq3A_214 = arith.cmpf oeq, %scan3A_131#6, %select_n3A_204 : vector<16xf32>
        %lt3A_215 = arith.cmpi slt, %add3A_212, %select_n3A_205 : vector<16xi32>
        %and3A_216 = arith.andi %eq3A_214, %lt3A_215 : vector<16xi1>
        %or3A_217 = arith.ori %lt3A_213, %and3A_216 : vector<16xi1>
        %select_n3A_218 = arith.select %or3A_217, %scan3A_131#6, %select_n3A_204 : vector<16xi1>, vector<16xf32>
        %select_n3A_219 = arith.select %or3A_217, %add3A_212, %select_n3A_205 : vector<16xi1>, vector<16xi32>
        %mul3A_220 = arith.constant 128 : i32
        %mul3A_221 = vector.broadcast %mul3A_220 : i32 to vector<16xi32>
        %mul3A_222 = arith.muli %scan3A_131#15, %mul3A_221 : vector<16xi32>
        %add3A_223 = arith.constant 112 : i32
        %add3A_224 = vector.broadcast %add3A_223 : i32 to vector<16xi32>
        %add3A_225 = arith.addi %iota3A_120, %add3A_224 : vector<16xi32>
        %add3A_226 = arith.addi %mul3A_222, %add3A_225 : vector<16xi32>
        %lt3A_227 = arith.cmpf olt, %scan3A_131#7, %select_n3A_218 : vector<16xf32>
        %eq3A_228 = arith.cmpf oeq, %scan3A_131#7, %select_n3A_218 : vector<16xf32>
        %lt3A_229 = arith.cmpi slt, %add3A_226, %select_n3A_219 : vector<16xi32>
        %and3A_230 = arith.andi %eq3A_228, %lt3A_229 : vector<16xi1>
        %or3A_231 = arith.ori %lt3A_227, %and3A_230 : vector<16xi1>
        %select_n3A_232 = arith.select %or3A_231, %scan3A_131#7, %select_n3A_218 : vector<16xi1>, vector<16xf32>
        %select_n3A_233 = arith.select %or3A_231, %add3A_226, %select_n3A_219 : vector<16xi1>, vector<16xi32>
        %xor3A = arith.constant 8 : i32
        %xor3A_234 = vector.broadcast %xor3A : i32 to vector<16xi32>
        %xor3A_235 = arith.xori %iota3A_120, %xor3A_234 : vector<16xi32>
        %reshape3A = vector.shape_cast %xor3A_235 : vector<16xi32> to vector<16x1xi32>
        %gather3A = vector.shape_cast %reshape3A : vector<16x1xi32> to vector<16xi32>
        %gather3A_236 = tpu.dynamic_gather %select_n3A_232[%gather3A] in [0] : vector<16xf32>, vector<16xi32> -> vector<16xf32>
        %reshape3A_237 = vector.shape_cast %xor3A_235 : vector<16xi32> to vector<16x1xi32>
        %gather3A_238 = vector.shape_cast %reshape3A_237 : vector<16x1xi32> to vector<16xi32>
        %gather3A_239 = tpu.dynamic_gather %select_n3A_233[%gather3A_238] in [0] : vector<16xi32>, vector<16xi32> -> vector<16xi32>
        %lt3A_240 = arith.cmpf olt, %gather3A_236, %select_n3A_232 : vector<16xf32>
        %eq3A_241 = arith.cmpf oeq, %gather3A_236, %select_n3A_232 : vector<16xf32>
        %lt3A_242 = arith.cmpi slt, %gather3A_239, %select_n3A_233 : vector<16xi32>
        %and3A_243 = arith.andi %eq3A_241, %lt3A_242 : vector<16xi1>
        %or3A_244 = arith.ori %lt3A_240, %and3A_243 : vector<16xi1>
        %select_n3A_245 = arith.select %or3A_244, %gather3A_236, %select_n3A_232 : vector<16xi1>, vector<16xf32>
        %select_n3A_246 = arith.select %or3A_244, %gather3A_239, %select_n3A_233 : vector<16xi1>, vector<16xi32>
        %xor3A_247 = arith.constant 4 : i32
        %xor3A_248 = vector.broadcast %xor3A_247 : i32 to vector<16xi32>
        %xor3A_249 = arith.xori %iota3A_120, %xor3A_248 : vector<16xi32>
        %reshape3A_250 = vector.shape_cast %xor3A_249 : vector<16xi32> to vector<16x1xi32>
        %gather3A_251 = vector.shape_cast %reshape3A_250 : vector<16x1xi32> to vector<16xi32>
        %gather3A_252 = tpu.dynamic_gather %select_n3A_245[%gather3A_251] in [0] : vector<16xf32>, vector<16xi32> -> vector<16xf32>
        %reshape3A_253 = vector.shape_cast %xor3A_249 : vector<16xi32> to vector<16x1xi32>
        %gather3A_254 = vector.shape_cast %reshape3A_253 : vector<16x1xi32> to vector<16xi32>
        %gather3A_255 = tpu.dynamic_gather %select_n3A_246[%gather3A_254] in [0] : vector<16xi32>, vector<16xi32> -> vector<16xi32>
        %lt3A_256 = arith.cmpf olt, %gather3A_252, %select_n3A_245 : vector<16xf32>
        %eq3A_257 = arith.cmpf oeq, %gather3A_252, %select_n3A_245 : vector<16xf32>
        %lt3A_258 = arith.cmpi slt, %gather3A_255, %select_n3A_246 : vector<16xi32>
        %and3A_259 = arith.andi %eq3A_257, %lt3A_258 : vector<16xi1>
        %or3A_260 = arith.ori %lt3A_256, %and3A_259 : vector<16xi1>
        %select_n3A_261 = arith.select %or3A_260, %gather3A_252, %select_n3A_245 : vector<16xi1>, vector<16xf32>
        %select_n3A_262 = arith.select %or3A_260, %gather3A_255, %select_n3A_246 : vector<16xi1>, vector<16xi32>
        %xor3A_263 = arith.constant 2 : i32
        %xor3A_264 = vector.broadcast %xor3A_263 : i32 to vector<16xi32>
        %xor3A_265 = arith.xori %iota3A_120, %xor3A_264 : vector<16xi32>
        %reshape3A_266 = vector.shape_cast %xor3A_265 : vector<16xi32> to vector<16x1xi32>
        %gather3A_267 = vector.shape_cast %reshape3A_266 : vector<16x1xi32> to vector<16xi32>
        %gather3A_268 = tpu.dynamic_gather %select_n3A_261[%gather3A_267] in [0] : vector<16xf32>, vector<16xi32> -> vector<16xf32>
        %reshape3A_269 = vector.shape_cast %xor3A_265 : vector<16xi32> to vector<16x1xi32>
        %gather3A_270 = vector.shape_cast %reshape3A_269 : vector<16x1xi32> to vector<16xi32>
        %gather3A_271 = tpu.dynamic_gather %select_n3A_262[%gather3A_270] in [0] : vector<16xi32>, vector<16xi32> -> vector<16xi32>
        %lt3A_272 = arith.cmpf olt, %gather3A_268, %select_n3A_261 : vector<16xf32>
        %eq3A_273 = arith.cmpf oeq, %gather3A_268, %select_n3A_261 : vector<16xf32>
        %lt3A_274 = arith.cmpi slt, %gather3A_271, %select_n3A_262 : vector<16xi32>
        %and3A_275 = arith.andi %eq3A_273, %lt3A_274 : vector<16xi1>
        %or3A_276 = arith.ori %lt3A_272, %and3A_275 : vector<16xi1>
        %select_n3A_277 = arith.select %or3A_276, %gather3A_268, %select_n3A_261 : vector<16xi1>, vector<16xf32>
        %select_n3A_278 = arith.select %or3A_276, %gather3A_271, %select_n3A_262 : vector<16xi1>, vector<16xi32>
        %xor3A_279 = arith.constant 1 : i32
        %xor3A_280 = vector.broadcast %xor3A_279 : i32 to vector<16xi32>
        %xor3A_281 = arith.xori %iota3A_120, %xor3A_280 : vector<16xi32>
        %reshape3A_282 = vector.shape_cast %xor3A_281 : vector<16xi32> to vector<16x1xi32>
        %gather3A_283 = vector.shape_cast %reshape3A_282 : vector<16x1xi32> to vector<16xi32>
        %gather3A_284 = tpu.dynamic_gather %select_n3A_277[%gather3A_283] in [0] : vector<16xf32>, vector<16xi32> -> vector<16xf32>
        %reshape3A_285 = vector.shape_cast %xor3A_281 : vector<16xi32> to vector<16x1xi32>
        %gather3A_286 = vector.shape_cast %reshape3A_285 : vector<16x1xi32> to vector<16xi32>
        %gather3A_287 = tpu.dynamic_gather %select_n3A_278[%gather3A_286] in [0] : vector<16xi32>, vector<16xi32> -> vector<16xi32>
        %lt3A_288 = arith.cmpf olt, %gather3A_284, %select_n3A_277 : vector<16xf32>
        %eq3A_289 = arith.cmpf oeq, %gather3A_284, %select_n3A_277 : vector<16xf32>
        %lt3A_290 = arith.cmpi slt, %gather3A_287, %select_n3A_278 : vector<16xi32>
        %and3A_291 = arith.andi %eq3A_289, %lt3A_290 : vector<16xi1>
        %or3A_292 = arith.ori %lt3A_288, %and3A_291 : vector<16xi1>
        %select_n3A_293 = arith.select %or3A_292, %gather3A_284, %select_n3A_277 : vector<16xi1>, vector<16xf32>
        %select_n3A_294 = arith.select %or3A_292, %gather3A_287, %select_n3A_278 : vector<16xi1>, vector<16xi32>
        %add3A_295 = arith.constant 4 : i32
        %add3A_296 = arith.addi %add3A_295, %scan3A_118 : i32
        %eq3A_297 = vector.broadcast %add3A_296 : i32 to vector<16xi32>
        %eq3A_298 = arith.cmpi eq, %iota3A, %eq3A_297 : vector<16xi32>
        %select_n3A_299 = arith.select %eq3A_298, %select_n3A_294, %scan3A_119 : vector<16xi1>, vector<16xi32>
        scf.yield %select_n3A_299 : vector<16xi32>
      }
      %scan3A_59 = arith.constant 4 : i32
      %add3A_60 = arith.constant 2 : i32
      %add3A_61 = arith.addi %add3A_47, %add3A_60 : i32
      %lt3A_62 = arith.constant 12 : i32
      %lt3A_63 = arith.cmpi slt, %add3A_61, %lt3A_62 : i32
      %convert_element_type3A_64 = arith.extui %lt3A_63 : i1 to i32
      %cond3A_65 = arith.constant 0 : i32
      %cond3A_66 = arith.cmpi ne, %convert_element_type3A_64, %cond3A_65 : i32
      scf.if %cond3A_66 {
        %add3A_118 = arith.constant 2 : i32
        %add3A_119 = arith.addi %add3A_47, %add3A_118 : i32
        %mul3A_120 = arith.constant 4 : i32
        %mul3A_121 = arith.muli %add3A_119, %mul3A_120 : i32
        %add3A_122 = arith.addi %mul3A_2, %mul3A_121 : i32
        %dma_start3A_123 = arith.constant 0 : i32
        %dma_start3A_124 = tpu.memref_slice %arg2[%add3A_122, %dma_start3A_123] : memref<4096x8192xf32, #tpu.memory_space<hbm>> -> memref<4x8192xf32, #tpu.memory_space<hbm>>
        %dma_start3A_125 = arith.constant 0 : i32
        %dma_start3A_126 = tpu.memref_slice %arg2[%add3A_122, %dma_start3A_125] : memref<4096x8192xf32, #tpu.memory_space<hbm>> -> memref<4x8192xf32, #tpu.memory_space<hbm>>
        tpu.enqueue_dma source(%dma_start3A_126 : memref<4x8192xf32, #tpu.memory_space<hbm>>) target(%arg6 : memref<4x8192xf32, #tpu.memory_space<vmem>>) target_semaphore(%arg10 : memref<!tpu.dma_semaphore, #tpu.memory_space<semaphore_mem>>)
      } else {
      }
      %mul3A_67 = arith.constant 4 : i32
      %mul3A_68 = arith.muli %mul3A_67, %scan3A_22 : i32
      %add3A_69 = arith.constant 2 : i32
      %add3A_70 = arith.addi %mul3A_68, %add3A_69 : i32
      %dma_wait3A_71 = arith.constant 0 : i32
      %dma_wait3A_72 = arith.constant 0 : i32
      %dma_wait3A_73 = tpu.memref_slice %arg2[%dma_wait3A_71, %dma_wait3A_72] : memref<4096x8192xf32, #tpu.memory_space<hbm>> -> memref<4x8192xf32, #tpu.memory_space<hbm>>
      %dma_wait3A_74 = arith.constant 0 : i32
      %dma_wait3A_75 = arith.constant 0 : i32
      %dma_wait3A_76 = tpu.memref_slice %arg2[%dma_wait3A_74, %dma_wait3A_75] : memref<4096x8192xf32, #tpu.memory_space<hbm>> -> memref<4x8192xf32, #tpu.memory_space<hbm>>
      tpu.wait_dma2 semaphore(%arg9 : memref<!tpu.dma_semaphore, #tpu.memory_space<semaphore_mem>>) src(%dma_wait3A_76 : memref<4x8192xf32, #tpu.memory_space<hbm>>) dst(%arg5 : memref<4x8192xf32, #tpu.memory_space<vmem>>)
      %scan3A_77 = arith.constant 0 : i32
      %scan3A_78 = arith.constant 4 : i32
      %scan3A_79 = arith.addi %scan3A_77, %scan3A_78 : i32
      %scan3A_80 = arith.constant 1 : i32
      %scan3A_81 = scf.for %scan3A_118 = %scan3A_77 to %scan3A_79 step %scan3A_80 iter_args(%scan3A_119 = %scan3A_58) -> (vector<16xi32>)  : i32 {
        %iota3A_120 = tpu.iota {dimensions = array<i32: 0>} : vector<16xi32>
        %broadcast_in_dim3A_121 = arith.constant 0x7F800000 : f32
        %broadcast_in_dim3A_122 = vector.broadcast %broadcast_in_dim3A_121 : f32 to vector<16xf32>
        %broadcast_in_dim3A_123 = arith.constant 0 : i32
        %broadcast_in_dim3A_124 = vector.broadcast %broadcast_in_dim3A_123 : i32 to vector<16xi32>
        %broadcast_in_dim3A_125 = arith.constant 0 : i32
        %broadcast_in_dim3A_126 = vector.broadcast %broadcast_in_dim3A_125 : i32 to vector<16xi32>
        %scan3A_127 = arith.constant 0 : i32
        %scan3A_128 = arith.constant 64 : i32
        %scan3A_129 = arith.addi %scan3A_127, %scan3A_128 : i32
        %scan3A_130 = arith.constant 1 : i32
        %scan3A_131:17 = scf.for %scan3A_300 = %scan3A_127 to %scan3A_129 step %scan3A_130 iter_args(%scan3A_301 = %broadcast_in_dim3A_122, %scan3A_302 = %broadcast_in_dim3A_122, %scan3A_303 = %broadcast_in_dim3A_122, %scan3A_304 = %broadcast_in_dim3A_122, %scan3A_305 = %broadcast_in_dim3A_122, %scan3A_306 = %broadcast_in_dim3A_122, %scan3A_307 = %broadcast_in_dim3A_122, %scan3A_308 = %broadcast_in_dim3A_122, %scan3A_309 = %broadcast_in_dim3A_124, %scan3A_310 = %broadcast_in_dim3A_124, %scan3A_311 = %broadcast_in_dim3A_124, %scan3A_312 = %broadcast_in_dim3A_124, %scan3A_313 = %broadcast_in_dim3A_124, %scan3A_314 = %broadcast_in_dim3A_124, %scan3A_315 = %broadcast_in_dim3A_124, %scan3A_316 = %broadcast_in_dim3A_124, %scan3A_317 = %broadcast_in_dim3A_126) -> (vector<16xf32>, vector<16xf32>, vector<16xf32>, vector<16xf32>, vector<16xf32>, vector<16xf32>, vector<16xf32>, vector<16xf32>, vector<16xi32>, vector<16xi32>, vector<16xi32>, vector<16xi32>, vector<16xi32>, vector<16xi32>, vector<16xi32>, vector<16xi32>, vector<16xi32>)  : i32 {
          %mul3A_318 = arith.constant 128 : i32
          %mul3A_319 = arith.muli %scan3A_300, %mul3A_318 : i32
          %add3A_320 = arith.constant 0 : i32
          %add3A_321 = arith.addi %mul3A_319, %add3A_320 : i32
          %get3A = arith.index_cast %scan3A_118 : i32 to index
          %get3A_322 = arith.index_cast %add3A_321 : i32 to index
          %get3A_323 = tpu.vector_load %arg5[%get3A, %get3A_322] {strides = array<i32>} : memref<4x8192xf32, #tpu.memory_space<vmem>>, vector<1x16xf32>,
          %get3A_324 = vector.shape_cast %get3A_323 : vector<1x16xf32> to vector<16xf32>
          %lt3A_325 = arith.cmpf olt, %get3A_324, %scan3A_301 : vector<16xf32>
          %min3A = arith.minimumf %scan3A_301, %get3A_324 : vector<16xf32>
          %select_n3A_326 = arith.select %lt3A_325, %scan3A_317, %scan3A_309 : vector<16xi1>, vector<16xi32>
          %add3A_327 = arith.constant 16 : i32
          %add3A_328 = arith.addi %mul3A_319, %add3A_327 : i32
          %get3A_329 = arith.index_cast %scan3A_118 : i32 to index
          %get3A_330 = arith.index_cast %add3A_328 : i32 to index
          %get3A_331 = tpu.vector_load %arg5[%get3A_329, %get3A_330] {strides = array<i32>} : memref<4x8192xf32, #tpu.memory_space<vmem>>, vector<1x16xf32>,
          %get3A_332 = vector.shape_cast %get3A_331 : vector<1x16xf32> to vector<16xf32>
          %lt3A_333 = arith.cmpf olt, %get3A_332, %scan3A_302 : vector<16xf32>
          %min3A_334 = arith.minimumf %scan3A_302, %get3A_332 : vector<16xf32>
          %select_n3A_335 = arith.select %lt3A_333, %scan3A_317, %scan3A_310 : vector<16xi1>, vector<16xi32>
          %add3A_336 = arith.constant 32 : i32
          %add3A_337 = arith.addi %mul3A_319, %add3A_336 : i32
          %get3A_338 = arith.index_cast %scan3A_118 : i32 to index
          %get3A_339 = arith.index_cast %add3A_337 : i32 to index
          %get3A_340 = tpu.vector_load %arg5[%get3A_338, %get3A_339] {strides = array<i32>} : memref<4x8192xf32, #tpu.memory_space<vmem>>, vector<1x16xf32>,
          %get3A_341 = vector.shape_cast %get3A_340 : vector<1x16xf32> to vector<16xf32>
          %lt3A_342 = arith.cmpf olt, %get3A_341, %scan3A_303 : vector<16xf32>
          %min3A_343 = arith.minimumf %scan3A_303, %get3A_341 : vector<16xf32>
          %select_n3A_344 = arith.select %lt3A_342, %scan3A_317, %scan3A_311 : vector<16xi1>, vector<16xi32>
          %add3A_345 = arith.constant 48 : i32
          %add3A_346 = arith.addi %mul3A_319, %add3A_345 : i32
          %get3A_347 = arith.index_cast %scan3A_118 : i32 to index
          %get3A_348 = arith.index_cast %add3A_346 : i32 to index
          %get3A_349 = tpu.vector_load %arg5[%get3A_347, %get3A_348] {strides = array<i32>} : memref<4x8192xf32, #tpu.memory_space<vmem>>, vector<1x16xf32>,
          %get3A_350 = vector.shape_cast %get3A_349 : vector<1x16xf32> to vector<16xf32>
          %lt3A_351 = arith.cmpf olt, %get3A_350, %scan3A_304 : vector<16xf32>
          %min3A_352 = arith.minimumf %scan3A_304, %get3A_350 : vector<16xf32>
          %select_n3A_353 = arith.select %lt3A_351, %scan3A_317, %scan3A_312 : vector<16xi1>, vector<16xi32>
          %add3A_354 = arith.constant 64 : i32
          %add3A_355 = arith.addi %mul3A_319, %add3A_354 : i32
          %get3A_356 = arith.index_cast %scan3A_118 : i32 to index
          %get3A_357 = arith.index_cast %add3A_355 : i32 to index
          %get3A_358 = tpu.vector_load %arg5[%get3A_356, %get3A_357] {strides = array<i32>} : memref<4x8192xf32, #tpu.memory_space<vmem>>, vector<1x16xf32>,
          %get3A_359 = vector.shape_cast %get3A_358 : vector<1x16xf32> to vector<16xf32>
          %lt3A_360 = arith.cmpf olt, %get3A_359, %scan3A_305 : vector<16xf32>
          %min3A_361 = arith.minimumf %scan3A_305, %get3A_359 : vector<16xf32>
          %select_n3A_362 = arith.select %lt3A_360, %scan3A_317, %scan3A_313 : vector<16xi1>, vector<16xi32>
          %add3A_363 = arith.constant 80 : i32
          %add3A_364 = arith.addi %mul3A_319, %add3A_363 : i32
          %get3A_365 = arith.index_cast %scan3A_118 : i32 to index
          %get3A_366 = arith.index_cast %add3A_364 : i32 to index
          %get3A_367 = tpu.vector_load %arg5[%get3A_365, %get3A_366] {strides = array<i32>} : memref<4x8192xf32, #tpu.memory_space<vmem>>, vector<1x16xf32>,
          %get3A_368 = vector.shape_cast %get3A_367 : vector<1x16xf32> to vector<16xf32>
          %lt3A_369 = arith.cmpf olt, %get3A_368, %scan3A_306 : vector<16xf32>
          %min3A_370 = arith.minimumf %scan3A_306, %get3A_368 : vector<16xf32>
          %select_n3A_371 = arith.select %lt3A_369, %scan3A_317, %scan3A_314 : vector<16xi1>, vector<16xi32>
          %add3A_372 = arith.constant 96 : i32
          %add3A_373 = arith.addi %mul3A_319, %add3A_372 : i32
          %get3A_374 = arith.index_cast %scan3A_118 : i32 to index
          %get3A_375 = arith.index_cast %add3A_373 : i32 to index
          %get3A_376 = tpu.vector_load %arg5[%get3A_374, %get3A_375] {strides = array<i32>} : memref<4x8192xf32, #tpu.memory_space<vmem>>, vector<1x16xf32>,
          %get3A_377 = vector.shape_cast %get3A_376 : vector<1x16xf32> to vector<16xf32>
          %lt3A_378 = arith.cmpf olt, %get3A_377, %scan3A_307 : vector<16xf32>
          %min3A_379 = arith.minimumf %scan3A_307, %get3A_377 : vector<16xf32>
          %select_n3A_380 = arith.select %lt3A_378, %scan3A_317, %scan3A_315 : vector<16xi1>, vector<16xi32>
          %add3A_381 = arith.constant 112 : i32
          %add3A_382 = arith.addi %mul3A_319, %add3A_381 : i32
          %get3A_383 = arith.index_cast %scan3A_118 : i32 to index
          %get3A_384 = arith.index_cast %add3A_382 : i32 to index
          %get3A_385 = tpu.vector_load %arg5[%get3A_383, %get3A_384] {strides = array<i32>} : memref<4x8192xf32, #tpu.memory_space<vmem>>, vector<1x16xf32>,
          %get3A_386 = vector.shape_cast %get3A_385 : vector<1x16xf32> to vector<16xf32>
          %lt3A_387 = arith.cmpf olt, %get3A_386, %scan3A_308 : vector<16xf32>
          %min3A_388 = arith.minimumf %scan3A_308, %get3A_386 : vector<16xf32>
          %select_n3A_389 = arith.select %lt3A_387, %scan3A_317, %scan3A_316 : vector<16xi1>, vector<16xi32>
          %add3A_390 = arith.constant 1 : i32
          %add3A_391 = vector.broadcast %add3A_390 : i32 to vector<16xi32>
          %add3A_392 = arith.addi %scan3A_317, %add3A_391 : vector<16xi32>
          scf.yield %min3A, %min3A_334, %min3A_343, %min3A_352, %min3A_361, %min3A_370, %min3A_379, %min3A_388, %select_n3A_326, %select_n3A_335, %select_n3A_344, %select_n3A_353, %select_n3A_362, %select_n3A_371, %select_n3A_380, %select_n3A_389, %add3A_392 : vector<16xf32>, vector<16xf32>, vector<16xf32>, vector<16xf32>, vector<16xf32>, vector<16xf32>, vector<16xf32>, vector<16xf32>, vector<16xi32>, vector<16xi32>, vector<16xi32>, vector<16xi32>, vector<16xi32>, vector<16xi32>, vector<16xi32>, vector<16xi32>, vector<16xi32>
        }
        %scan3A_132 = arith.constant 64 : i32
        %mul3A_133 = arith.constant 128 : i32
        %mul3A_134 = vector.broadcast %mul3A_133 : i32 to vector<16xi32>
        %mul3A_135 = arith.muli %scan3A_131#8, %mul3A_134 : vector<16xi32>
        %add3A_136 = arith.constant 0 : i32
        %add3A_137 = vector.broadcast %add3A_136 : i32 to vector<16xi32>
        %add3A_138 = arith.addi %iota3A_120, %add3A_137 : vector<16xi32>
        %add3A_139 = arith.addi %mul3A_135, %add3A_138 : vector<16xi32>
        %mul3A_140 = arith.constant 128 : i32
        %mul3A_141 = vector.broadcast %mul3A_140 : i32 to vector<16xi32>
        %mul3A_142 = arith.muli %scan3A_131#9, %mul3A_141 : vector<16xi32>
        %add3A_143 = arith.constant 16 : i32
        %add3A_144 = vector.broadcast %add3A_143 : i32 to vector<16xi32>
        %add3A_145 = arith.addi %iota3A_120, %add3A_144 : vector<16xi32>
        %add3A_146 = arith.addi %mul3A_142, %add3A_145 : vector<16xi32>
        %lt3A_147 = arith.cmpf olt, %scan3A_131#1, %scan3A_131#0 : vector<16xf32>
        %eq3A = arith.cmpf oeq, %scan3A_131#1, %scan3A_131#0 : vector<16xf32>
        %lt3A_148 = arith.cmpi slt, %add3A_146, %add3A_139 : vector<16xi32>
        %and3A = arith.andi %eq3A, %lt3A_148 : vector<16xi1>
        %or3A = arith.ori %lt3A_147, %and3A : vector<16xi1>
        %select_n3A = arith.select %or3A, %scan3A_131#1, %scan3A_131#0 : vector<16xi1>, vector<16xf32>
        %select_n3A_149 = arith.select %or3A, %add3A_146, %add3A_139 : vector<16xi1>, vector<16xi32>
        %mul3A_150 = arith.constant 128 : i32
        %mul3A_151 = vector.broadcast %mul3A_150 : i32 to vector<16xi32>
        %mul3A_152 = arith.muli %scan3A_131#10, %mul3A_151 : vector<16xi32>
        %add3A_153 = arith.constant 32 : i32
        %add3A_154 = vector.broadcast %add3A_153 : i32 to vector<16xi32>
        %add3A_155 = arith.addi %iota3A_120, %add3A_154 : vector<16xi32>
        %add3A_156 = arith.addi %mul3A_152, %add3A_155 : vector<16xi32>
        %lt3A_157 = arith.cmpf olt, %scan3A_131#2, %select_n3A : vector<16xf32>
        %eq3A_158 = arith.cmpf oeq, %scan3A_131#2, %select_n3A : vector<16xf32>
        %lt3A_159 = arith.cmpi slt, %add3A_156, %select_n3A_149 : vector<16xi32>
        %and3A_160 = arith.andi %eq3A_158, %lt3A_159 : vector<16xi1>
        %or3A_161 = arith.ori %lt3A_157, %and3A_160 : vector<16xi1>
        %select_n3A_162 = arith.select %or3A_161, %scan3A_131#2, %select_n3A : vector<16xi1>, vector<16xf32>
        %select_n3A_163 = arith.select %or3A_161, %add3A_156, %select_n3A_149 : vector<16xi1>, vector<16xi32>
        %mul3A_164 = arith.constant 128 : i32
        %mul3A_165 = vector.broadcast %mul3A_164 : i32 to vector<16xi32>
        %mul3A_166 = arith.muli %scan3A_131#11, %mul3A_165 : vector<16xi32>
        %add3A_167 = arith.constant 48 : i32
        %add3A_168 = vector.broadcast %add3A_167 : i32 to vector<16xi32>
        %add3A_169 = arith.addi %iota3A_120, %add3A_168 : vector<16xi32>
        %add3A_170 = arith.addi %mul3A_166, %add3A_169 : vector<16xi32>
        %lt3A_171 = arith.cmpf olt, %scan3A_131#3, %select_n3A_162 : vector<16xf32>
        %eq3A_172 = arith.cmpf oeq, %scan3A_131#3, %select_n3A_162 : vector<16xf32>
        %lt3A_173 = arith.cmpi slt, %add3A_170, %select_n3A_163 : vector<16xi32>
        %and3A_174 = arith.andi %eq3A_172, %lt3A_173 : vector<16xi1>
        %or3A_175 = arith.ori %lt3A_171, %and3A_174 : vector<16xi1>
        %select_n3A_176 = arith.select %or3A_175, %scan3A_131#3, %select_n3A_162 : vector<16xi1>, vector<16xf32>
        %select_n3A_177 = arith.select %or3A_175, %add3A_170, %select_n3A_163 : vector<16xi1>, vector<16xi32>
        %mul3A_178 = arith.constant 128 : i32
        %mul3A_179 = vector.broadcast %mul3A_178 : i32 to vector<16xi32>
        %mul3A_180 = arith.muli %scan3A_131#12, %mul3A_179 : vector<16xi32>
        %add3A_181 = arith.constant 64 : i32
        %add3A_182 = vector.broadcast %add3A_181 : i32 to vector<16xi32>
        %add3A_183 = arith.addi %iota3A_120, %add3A_182 : vector<16xi32>
        %add3A_184 = arith.addi %mul3A_180, %add3A_183 : vector<16xi32>
        %lt3A_185 = arith.cmpf olt, %scan3A_131#4, %select_n3A_176 : vector<16xf32>
        %eq3A_186 = arith.cmpf oeq, %scan3A_131#4, %select_n3A_176 : vector<16xf32>
        %lt3A_187 = arith.cmpi slt, %add3A_184, %select_n3A_177 : vector<16xi32>
        %and3A_188 = arith.andi %eq3A_186, %lt3A_187 : vector<16xi1>
        %or3A_189 = arith.ori %lt3A_185, %and3A_188 : vector<16xi1>
        %select_n3A_190 = arith.select %or3A_189, %scan3A_131#4, %select_n3A_176 : vector<16xi1>, vector<16xf32>
        %select_n3A_191 = arith.select %or3A_189, %add3A_184, %select_n3A_177 : vector<16xi1>, vector<16xi32>
        %mul3A_192 = arith.constant 128 : i32
        %mul3A_193 = vector.broadcast %mul3A_192 : i32 to vector<16xi32>
        %mul3A_194 = arith.muli %scan3A_131#13, %mul3A_193 : vector<16xi32>
        %add3A_195 = arith.constant 80 : i32
        %add3A_196 = vector.broadcast %add3A_195 : i32 to vector<16xi32>
        %add3A_197 = arith.addi %iota3A_120, %add3A_196 : vector<16xi32>
        %add3A_198 = arith.addi %mul3A_194, %add3A_197 : vector<16xi32>
        %lt3A_199 = arith.cmpf olt, %scan3A_131#5, %select_n3A_190 : vector<16xf32>
        %eq3A_200 = arith.cmpf oeq, %scan3A_131#5, %select_n3A_190 : vector<16xf32>
        %lt3A_201 = arith.cmpi slt, %add3A_198, %select_n3A_191 : vector<16xi32>
        %and3A_202 = arith.andi %eq3A_200, %lt3A_201 : vector<16xi1>
        %or3A_203 = arith.ori %lt3A_199, %and3A_202 : vector<16xi1>
        %select_n3A_204 = arith.select %or3A_203, %scan3A_131#5, %select_n3A_190 : vector<16xi1>, vector<16xf32>
        %select_n3A_205 = arith.select %or3A_203, %add3A_198, %select_n3A_191 : vector<16xi1>, vector<16xi32>
        %mul3A_206 = arith.constant 128 : i32
        %mul3A_207 = vector.broadcast %mul3A_206 : i32 to vector<16xi32>
        %mul3A_208 = arith.muli %scan3A_131#14, %mul3A_207 : vector<16xi32>
        %add3A_209 = arith.constant 96 : i32
        %add3A_210 = vector.broadcast %add3A_209 : i32 to vector<16xi32>
        %add3A_211 = arith.addi %iota3A_120, %add3A_210 : vector<16xi32>
        %add3A_212 = arith.addi %mul3A_208, %add3A_211 : vector<16xi32>
        %lt3A_213 = arith.cmpf olt, %scan3A_131#6, %select_n3A_204 : vector<16xf32>
        %eq3A_214 = arith.cmpf oeq, %scan3A_131#6, %select_n3A_204 : vector<16xf32>
        %lt3A_215 = arith.cmpi slt, %add3A_212, %select_n3A_205 : vector<16xi32>
        %and3A_216 = arith.andi %eq3A_214, %lt3A_215 : vector<16xi1>
        %or3A_217 = arith.ori %lt3A_213, %and3A_216 : vector<16xi1>
        %select_n3A_218 = arith.select %or3A_217, %scan3A_131#6, %select_n3A_204 : vector<16xi1>, vector<16xf32>
        %select_n3A_219 = arith.select %or3A_217, %add3A_212, %select_n3A_205 : vector<16xi1>, vector<16xi32>
        %mul3A_220 = arith.constant 128 : i32
        %mul3A_221 = vector.broadcast %mul3A_220 : i32 to vector<16xi32>
        %mul3A_222 = arith.muli %scan3A_131#15, %mul3A_221 : vector<16xi32>
        %add3A_223 = arith.constant 112 : i32
        %add3A_224 = vector.broadcast %add3A_223 : i32 to vector<16xi32>
        %add3A_225 = arith.addi %iota3A_120, %add3A_224 : vector<16xi32>
        %add3A_226 = arith.addi %mul3A_222, %add3A_225 : vector<16xi32>
        %lt3A_227 = arith.cmpf olt, %scan3A_131#7, %select_n3A_218 : vector<16xf32>
        %eq3A_228 = arith.cmpf oeq, %scan3A_131#7, %select_n3A_218 : vector<16xf32>
        %lt3A_229 = arith.cmpi slt, %add3A_226, %select_n3A_219 : vector<16xi32>
        %and3A_230 = arith.andi %eq3A_228, %lt3A_229 : vector<16xi1>
        %or3A_231 = arith.ori %lt3A_227, %and3A_230 : vector<16xi1>
        %select_n3A_232 = arith.select %or3A_231, %scan3A_131#7, %select_n3A_218 : vector<16xi1>, vector<16xf32>
        %select_n3A_233 = arith.select %or3A_231, %add3A_226, %select_n3A_219 : vector<16xi1>, vector<16xi32>
        %xor3A = arith.constant 8 : i32
        %xor3A_234 = vector.broadcast %xor3A : i32 to vector<16xi32>
        %xor3A_235 = arith.xori %iota3A_120, %xor3A_234 : vector<16xi32>
        %reshape3A = vector.shape_cast %xor3A_235 : vector<16xi32> to vector<16x1xi32>
        %gather3A = vector.shape_cast %reshape3A : vector<16x1xi32> to vector<16xi32>
        %gather3A_236 = tpu.dynamic_gather %select_n3A_232[%gather3A] in [0] : vector<16xf32>, vector<16xi32> -> vector<16xf32>
        %reshape3A_237 = vector.shape_cast %xor3A_235 : vector<16xi32> to vector<16x1xi32>
        %gather3A_238 = vector.shape_cast %reshape3A_237 : vector<16x1xi32> to vector<16xi32>
        %gather3A_239 = tpu.dynamic_gather %select_n3A_233[%gather3A_238] in [0] : vector<16xi32>, vector<16xi32> -> vector<16xi32>
        %lt3A_240 = arith.cmpf olt, %gather3A_236, %select_n3A_232 : vector<16xf32>
        %eq3A_241 = arith.cmpf oeq, %gather3A_236, %select_n3A_232 : vector<16xf32>
        %lt3A_242 = arith.cmpi slt, %gather3A_239, %select_n3A_233 : vector<16xi32>
        %and3A_243 = arith.andi %eq3A_241, %lt3A_242 : vector<16xi1>
        %or3A_244 = arith.ori %lt3A_240, %and3A_243 : vector<16xi1>
        %select_n3A_245 = arith.select %or3A_244, %gather3A_236, %select_n3A_232 : vector<16xi1>, vector<16xf32>
        %select_n3A_246 = arith.select %or3A_244, %gather3A_239, %select_n3A_233 : vector<16xi1>, vector<16xi32>
        %xor3A_247 = arith.constant 4 : i32
        %xor3A_248 = vector.broadcast %xor3A_247 : i32 to vector<16xi32>
        %xor3A_249 = arith.xori %iota3A_120, %xor3A_248 : vector<16xi32>
        %reshape3A_250 = vector.shape_cast %xor3A_249 : vector<16xi32> to vector<16x1xi32>
        %gather3A_251 = vector.shape_cast %reshape3A_250 : vector<16x1xi32> to vector<16xi32>
        %gather3A_252 = tpu.dynamic_gather %select_n3A_245[%gather3A_251] in [0] : vector<16xf32>, vector<16xi32> -> vector<16xf32>
        %reshape3A_253 = vector.shape_cast %xor3A_249 : vector<16xi32> to vector<16x1xi32>
        %gather3A_254 = vector.shape_cast %reshape3A_253 : vector<16x1xi32> to vector<16xi32>
        %gather3A_255 = tpu.dynamic_gather %select_n3A_246[%gather3A_254] in [0] : vector<16xi32>, vector<16xi32> -> vector<16xi32>
        %lt3A_256 = arith.cmpf olt, %gather3A_252, %select_n3A_245 : vector<16xf32>
        %eq3A_257 = arith.cmpf oeq, %gather3A_252, %select_n3A_245 : vector<16xf32>
        %lt3A_258 = arith.cmpi slt, %gather3A_255, %select_n3A_246 : vector<16xi32>
        %and3A_259 = arith.andi %eq3A_257, %lt3A_258 : vector<16xi1>
        %or3A_260 = arith.ori %lt3A_256, %and3A_259 : vector<16xi1>
        %select_n3A_261 = arith.select %or3A_260, %gather3A_252, %select_n3A_245 : vector<16xi1>, vector<16xf32>
        %select_n3A_262 = arith.select %or3A_260, %gather3A_255, %select_n3A_246 : vector<16xi1>, vector<16xi32>
        %xor3A_263 = arith.constant 2 : i32
        %xor3A_264 = vector.broadcast %xor3A_263 : i32 to vector<16xi32>
        %xor3A_265 = arith.xori %iota3A_120, %xor3A_264 : vector<16xi32>
        %reshape3A_266 = vector.shape_cast %xor3A_265 : vector<16xi32> to vector<16x1xi32>
        %gather3A_267 = vector.shape_cast %reshape3A_266 : vector<16x1xi32> to vector<16xi32>
        %gather3A_268 = tpu.dynamic_gather %select_n3A_261[%gather3A_267] in [0] : vector<16xf32>, vector<16xi32> -> vector<16xf32>
        %reshape3A_269 = vector.shape_cast %xor3A_265 : vector<16xi32> to vector<16x1xi32>
        %gather3A_270 = vector.shape_cast %reshape3A_269 : vector<16x1xi32> to vector<16xi32>
        %gather3A_271 = tpu.dynamic_gather %select_n3A_262[%gather3A_270] in [0] : vector<16xi32>, vector<16xi32> -> vector<16xi32>
        %lt3A_272 = arith.cmpf olt, %gather3A_268, %select_n3A_261 : vector<16xf32>
        %eq3A_273 = arith.cmpf oeq, %gather3A_268, %select_n3A_261 : vector<16xf32>
        %lt3A_274 = arith.cmpi slt, %gather3A_271, %select_n3A_262 : vector<16xi32>
        %and3A_275 = arith.andi %eq3A_273, %lt3A_274 : vector<16xi1>
        %or3A_276 = arith.ori %lt3A_272, %and3A_275 : vector<16xi1>
        %select_n3A_277 = arith.select %or3A_276, %gather3A_268, %select_n3A_261 : vector<16xi1>, vector<16xf32>
        %select_n3A_278 = arith.select %or3A_276, %gather3A_271, %select_n3A_262 : vector<16xi1>, vector<16xi32>
        %xor3A_279 = arith.constant 1 : i32
        %xor3A_280 = vector.broadcast %xor3A_279 : i32 to vector<16xi32>
        %xor3A_281 = arith.xori %iota3A_120, %xor3A_280 : vector<16xi32>
        %reshape3A_282 = vector.shape_cast %xor3A_281 : vector<16xi32> to vector<16x1xi32>
        %gather3A_283 = vector.shape_cast %reshape3A_282 : vector<16x1xi32> to vector<16xi32>
        %gather3A_284 = tpu.dynamic_gather %select_n3A_277[%gather3A_283] in [0] : vector<16xf32>, vector<16xi32> -> vector<16xf32>
        %reshape3A_285 = vector.shape_cast %xor3A_281 : vector<16xi32> to vector<16x1xi32>
        %gather3A_286 = vector.shape_cast %reshape3A_285 : vector<16x1xi32> to vector<16xi32>
        %gather3A_287 = tpu.dynamic_gather %select_n3A_278[%gather3A_286] in [0] : vector<16xi32>, vector<16xi32> -> vector<16xi32>
        %lt3A_288 = arith.cmpf olt, %gather3A_284, %select_n3A_277 : vector<16xf32>
        %eq3A_289 = arith.cmpf oeq, %gather3A_284, %select_n3A_277 : vector<16xf32>
        %lt3A_290 = arith.cmpi slt, %gather3A_287, %select_n3A_278 : vector<16xi32>
        %and3A_291 = arith.andi %eq3A_289, %lt3A_290 : vector<16xi1>
        %or3A_292 = arith.ori %lt3A_288, %and3A_291 : vector<16xi1>
        %select_n3A_293 = arith.select %or3A_292, %gather3A_284, %select_n3A_277 : vector<16xi1>, vector<16xf32>
        %select_n3A_294 = arith.select %or3A_292, %gather3A_287, %select_n3A_278 : vector<16xi1>, vector<16xi32>
        %add3A_295 = arith.constant 8 : i32
        %add3A_296 = arith.addi %add3A_295, %scan3A_118 : i32
        %eq3A_297 = vector.broadcast %add3A_296 : i32 to vector<16xi32>
        %eq3A_298 = arith.cmpi eq, %iota3A, %eq3A_297 : vector<16xi32>
        %select_n3A_299 = arith.select %eq3A_298, %select_n3A_294, %scan3A_119 : vector<16xi1>, vector<16xi32>
        scf.yield %select_n3A_299 : vector<16xi32>
      }
      %scan3A_82 = arith.constant 4 : i32
      %add3A_83 = arith.constant 2 : i32
      %add3A_84 = arith.addi %add3A_70, %add3A_83 : i32
      %lt3A_85 = arith.constant 12 : i32
      %lt3A_86 = arith.cmpi slt, %add3A_84, %lt3A_85 : i32
      %convert_element_type3A_87 = arith.extui %lt3A_86 : i1 to i32
      %cond3A_88 = arith.constant 0 : i32
      %cond3A_89 = arith.cmpi ne, %convert_element_type3A_87, %cond3A_88 : i32
      scf.if %cond3A_89 {
        %add3A_118 = arith.constant 2 : i32
        %add3A_119 = arith.addi %add3A_70, %add3A_118 : i32
        %mul3A_120 = arith.constant 4 : i32
        %mul3A_121 = arith.muli %add3A_119, %mul3A_120 : i32
        %add3A_122 = arith.addi %mul3A_2, %mul3A_121 : i32
        %dma_start3A_123 = arith.constant 0 : i32
        %dma_start3A_124 = tpu.memref_slice %arg2[%add3A_122, %dma_start3A_123] : memref<4096x8192xf32, #tpu.memory_space<hbm>> -> memref<4x8192xf32, #tpu.memory_space<hbm>>
        %dma_start3A_125 = arith.constant 0 : i32
        %dma_start3A_126 = tpu.memref_slice %arg2[%add3A_122, %dma_start3A_125] : memref<4096x8192xf32, #tpu.memory_space<hbm>> -> memref<4x8192xf32, #tpu.memory_space<hbm>>
        tpu.enqueue_dma source(%dma_start3A_126 : memref<4x8192xf32, #tpu.memory_space<hbm>>) target(%arg5 : memref<4x8192xf32, #tpu.memory_space<vmem>>) target_semaphore(%arg9 : memref<!tpu.dma_semaphore, #tpu.memory_space<semaphore_mem>>)
      } else {
      }
      %mul3A_90 = arith.constant 4 : i32
      %mul3A_91 = arith.muli %mul3A_90, %scan3A_22 : i32
      %add3A_92 = arith.constant 3 : i32
      %add3A_93 = arith.addi %mul3A_91, %add3A_92 : i32
      %dma_wait3A_94 = arith.constant 0 : i32
      %dma_wait3A_95 = arith.constant 0 : i32
      %dma_wait3A_96 = tpu.memref_slice %arg2[%dma_wait3A_94, %dma_wait3A_95] : memref<4096x8192xf32, #tpu.memory_space<hbm>> -> memref<4x8192xf32, #tpu.memory_space<hbm>>
      %dma_wait3A_97 = arith.constant 0 : i32
      %dma_wait3A_98 = arith.constant 0 : i32
      %dma_wait3A_99 = tpu.memref_slice %arg2[%dma_wait3A_97, %dma_wait3A_98] : memref<4096x8192xf32, #tpu.memory_space<hbm>> -> memref<4x8192xf32, #tpu.memory_space<hbm>>
      tpu.wait_dma2 semaphore(%arg10 : memref<!tpu.dma_semaphore, #tpu.memory_space<semaphore_mem>>) src(%dma_wait3A_99 : memref<4x8192xf32, #tpu.memory_space<hbm>>) dst(%arg6 : memref<4x8192xf32, #tpu.memory_space<vmem>>)
      %scan3A_100 = arith.constant 0 : i32
      %scan3A_101 = arith.constant 4 : i32
      %scan3A_102 = arith.addi %scan3A_100, %scan3A_101 : i32
      %scan3A_103 = arith.constant 1 : i32
      %scan3A_104 = scf.for %scan3A_118 = %scan3A_100 to %scan3A_102 step %scan3A_103 iter_args(%scan3A_119 = %scan3A_81) -> (vector<16xi32>)  : i32 {
        %iota3A_120 = tpu.iota {dimensions = array<i32: 0>} : vector<16xi32>
        %broadcast_in_dim3A_121 = arith.constant 0x7F800000 : f32
        %broadcast_in_dim3A_122 = vector.broadcast %broadcast_in_dim3A_121 : f32 to vector<16xf32>
        %broadcast_in_dim3A_123 = arith.constant 0 : i32
        %broadcast_in_dim3A_124 = vector.broadcast %broadcast_in_dim3A_123 : i32 to vector<16xi32>
        %broadcast_in_dim3A_125 = arith.constant 0 : i32
        %broadcast_in_dim3A_126 = vector.broadcast %broadcast_in_dim3A_125 : i32 to vector<16xi32>
        %scan3A_127 = arith.constant 0 : i32
        %scan3A_128 = arith.constant 64 : i32
        %scan3A_129 = arith.addi %scan3A_127, %scan3A_128 : i32
        %scan3A_130 = arith.constant 1 : i32
        %scan3A_131:17 = scf.for %scan3A_300 = %scan3A_127 to %scan3A_129 step %scan3A_130 iter_args(%scan3A_301 = %broadcast_in_dim3A_122, %scan3A_302 = %broadcast_in_dim3A_122, %scan3A_303 = %broadcast_in_dim3A_122, %scan3A_304 = %broadcast_in_dim3A_122, %scan3A_305 = %broadcast_in_dim3A_122, %scan3A_306 = %broadcast_in_dim3A_122, %scan3A_307 = %broadcast_in_dim3A_122, %scan3A_308 = %broadcast_in_dim3A_122, %scan3A_309 = %broadcast_in_dim3A_124, %scan3A_310 = %broadcast_in_dim3A_124, %scan3A_311 = %broadcast_in_dim3A_124, %scan3A_312 = %broadcast_in_dim3A_124, %scan3A_313 = %broadcast_in_dim3A_124, %scan3A_314 = %broadcast_in_dim3A_124, %scan3A_315 = %broadcast_in_dim3A_124, %scan3A_316 = %broadcast_in_dim3A_124, %scan3A_317 = %broadcast_in_dim3A_126) -> (vector<16xf32>, vector<16xf32>, vector<16xf32>, vector<16xf32>, vector<16xf32>, vector<16xf32>, vector<16xf32>, vector<16xf32>, vector<16xi32>, vector<16xi32>, vector<16xi32>, vector<16xi32>, vector<16xi32>, vector<16xi32>, vector<16xi32>, vector<16xi32>, vector<16xi32>)  : i32 {
          %mul3A_318 = arith.constant 128 : i32
          %mul3A_319 = arith.muli %scan3A_300, %mul3A_318 : i32
          %add3A_320 = arith.constant 0 : i32
          %add3A_321 = arith.addi %mul3A_319, %add3A_320 : i32
          %get3A = arith.index_cast %scan3A_118 : i32 to index
          %get3A_322 = arith.index_cast %add3A_321 : i32 to index
          %get3A_323 = tpu.vector_load %arg6[%get3A, %get3A_322] {strides = array<i32>} : memref<4x8192xf32, #tpu.memory_space<vmem>>, vector<1x16xf32>,
          %get3A_324 = vector.shape_cast %get3A_323 : vector<1x16xf32> to vector<16xf32>
          %lt3A_325 = arith.cmpf olt, %get3A_324, %scan3A_301 : vector<16xf32>
          %min3A = arith.minimumf %scan3A_301, %get3A_324 : vector<16xf32>
          %select_n3A_326 = arith.select %lt3A_325, %scan3A_317, %scan3A_309 : vector<16xi1>, vector<16xi32>
          %add3A_327 = arith.constant 16 : i32
          %add3A_328 = arith.addi %mul3A_319, %add3A_327 : i32
          %get3A_329 = arith.index_cast %scan3A_118 : i32 to index
          %get3A_330 = arith.index_cast %add3A_328 : i32 to index
          %get3A_331 = tpu.vector_load %arg6[%get3A_329, %get3A_330] {strides = array<i32>} : memref<4x8192xf32, #tpu.memory_space<vmem>>, vector<1x16xf32>,
          %get3A_332 = vector.shape_cast %get3A_331 : vector<1x16xf32> to vector<16xf32>
          %lt3A_333 = arith.cmpf olt, %get3A_332, %scan3A_302 : vector<16xf32>
          %min3A_334 = arith.minimumf %scan3A_302, %get3A_332 : vector<16xf32>
          %select_n3A_335 = arith.select %lt3A_333, %scan3A_317, %scan3A_310 : vector<16xi1>, vector<16xi32>
          %add3A_336 = arith.constant 32 : i32
          %add3A_337 = arith.addi %mul3A_319, %add3A_336 : i32
          %get3A_338 = arith.index_cast %scan3A_118 : i32 to index
          %get3A_339 = arith.index_cast %add3A_337 : i32 to index
          %get3A_340 = tpu.vector_load %arg6[%get3A_338, %get3A_339] {strides = array<i32>} : memref<4x8192xf32, #tpu.memory_space<vmem>>, vector<1x16xf32>,
          %get3A_341 = vector.shape_cast %get3A_340 : vector<1x16xf32> to vector<16xf32>
          %lt3A_342 = arith.cmpf olt, %get3A_341, %scan3A_303 : vector<16xf32>
          %min3A_343 = arith.minimumf %scan3A_303, %get3A_341 : vector<16xf32>
          %select_n3A_344 = arith.select %lt3A_342, %scan3A_317, %scan3A_311 : vector<16xi1>, vector<16xi32>
          %add3A_345 = arith.constant 48 : i32
          %add3A_346 = arith.addi %mul3A_319, %add3A_345 : i32
          %get3A_347 = arith.index_cast %scan3A_118 : i32 to index
          %get3A_348 = arith.index_cast %add3A_346 : i32 to index
          %get3A_349 = tpu.vector_load %arg6[%get3A_347, %get3A_348] {strides = array<i32>} : memref<4x8192xf32, #tpu.memory_space<vmem>>, vector<1x16xf32>,
          %get3A_350 = vector.shape_cast %get3A_349 : vector<1x16xf32> to vector<16xf32>
          %lt3A_351 = arith.cmpf olt, %get3A_350, %scan3A_304 : vector<16xf32>
          %min3A_352 = arith.minimumf %scan3A_304, %get3A_350 : vector<16xf32>
          %select_n3A_353 = arith.select %lt3A_351, %scan3A_317, %scan3A_312 : vector<16xi1>, vector<16xi32>
          %add3A_354 = arith.constant 64 : i32
          %add3A_355 = arith.addi %mul3A_319, %add3A_354 : i32
          %get3A_356 = arith.index_cast %scan3A_118 : i32 to index
          %get3A_357 = arith.index_cast %add3A_355 : i32 to index
          %get3A_358 = tpu.vector_load %arg6[%get3A_356, %get3A_357] {strides = array<i32>} : memref<4x8192xf32, #tpu.memory_space<vmem>>, vector<1x16xf32>,
          %get3A_359 = vector.shape_cast %get3A_358 : vector<1x16xf32> to vector<16xf32>
          %lt3A_360 = arith.cmpf olt, %get3A_359, %scan3A_305 : vector<16xf32>
          %min3A_361 = arith.minimumf %scan3A_305, %get3A_359 : vector<16xf32>
          %select_n3A_362 = arith.select %lt3A_360, %scan3A_317, %scan3A_313 : vector<16xi1>, vector<16xi32>
          %add3A_363 = arith.constant 80 : i32
          %add3A_364 = arith.addi %mul3A_319, %add3A_363 : i32
          %get3A_365 = arith.index_cast %scan3A_118 : i32 to index
          %get3A_366 = arith.index_cast %add3A_364 : i32 to index
          %get3A_367 = tpu.vector_load %arg6[%get3A_365, %get3A_366] {strides = array<i32>} : memref<4x8192xf32, #tpu.memory_space<vmem>>, vector<1x16xf32>,
          %get3A_368 = vector.shape_cast %get3A_367 : vector<1x16xf32> to vector<16xf32>
          %lt3A_369 = arith.cmpf olt, %get3A_368, %scan3A_306 : vector<16xf32>
          %min3A_370 = arith.minimumf %scan3A_306, %get3A_368 : vector<16xf32>
          %select_n3A_371 = arith.select %lt3A_369, %scan3A_317, %scan3A_314 : vector<16xi1>, vector<16xi32>
          %add3A_372 = arith.constant 96 : i32
          %add3A_373 = arith.addi %mul3A_319, %add3A_372 : i32
          %get3A_374 = arith.index_cast %scan3A_118 : i32 to index
          %get3A_375 = arith.index_cast %add3A_373 : i32 to index
          %get3A_376 = tpu.vector_load %arg6[%get3A_374, %get3A_375] {strides = array<i32>} : memref<4x8192xf32, #tpu.memory_space<vmem>>, vector<1x16xf32>,
          %get3A_377 = vector.shape_cast %get3A_376 : vector<1x16xf32> to vector<16xf32>
          %lt3A_378 = arith.cmpf olt, %get3A_377, %scan3A_307 : vector<16xf32>
          %min3A_379 = arith.minimumf %scan3A_307, %get3A_377 : vector<16xf32>
          %select_n3A_380 = arith.select %lt3A_378, %scan3A_317, %scan3A_315 : vector<16xi1>, vector<16xi32>
          %add3A_381 = arith.constant 112 : i32
          %add3A_382 = arith.addi %mul3A_319, %add3A_381 : i32
          %get3A_383 = arith.index_cast %scan3A_118 : i32 to index
          %get3A_384 = arith.index_cast %add3A_382 : i32 to index
          %get3A_385 = tpu.vector_load %arg6[%get3A_383, %get3A_384] {strides = array<i32>} : memref<4x8192xf32, #tpu.memory_space<vmem>>, vector<1x16xf32>,
          %get3A_386 = vector.shape_cast %get3A_385 : vector<1x16xf32> to vector<16xf32>
          %lt3A_387 = arith.cmpf olt, %get3A_386, %scan3A_308 : vector<16xf32>
          %min3A_388 = arith.minimumf %scan3A_308, %get3A_386 : vector<16xf32>
          %select_n3A_389 = arith.select %lt3A_387, %scan3A_317, %scan3A_316 : vector<16xi1>, vector<16xi32>
          %add3A_390 = arith.constant 1 : i32
          %add3A_391 = vector.broadcast %add3A_390 : i32 to vector<16xi32>
          %add3A_392 = arith.addi %scan3A_317, %add3A_391 : vector<16xi32>
          scf.yield %min3A, %min3A_334, %min3A_343, %min3A_352, %min3A_361, %min3A_370, %min3A_379, %min3A_388, %select_n3A_326, %select_n3A_335, %select_n3A_344, %select_n3A_353, %select_n3A_362, %select_n3A_371, %select_n3A_380, %select_n3A_389, %add3A_392 : vector<16xf32>, vector<16xf32>, vector<16xf32>, vector<16xf32>, vector<16xf32>, vector<16xf32>, vector<16xf32>, vector<16xf32>, vector<16xi32>, vector<16xi32>, vector<16xi32>, vector<16xi32>, vector<16xi32>, vector<16xi32>, vector<16xi32>, vector<16xi32>, vector<16xi32>
        }
        %scan3A_132 = arith.constant 64 : i32
        %mul3A_133 = arith.constant 128 : i32
        %mul3A_134 = vector.broadcast %mul3A_133 : i32 to vector<16xi32>
        %mul3A_135 = arith.muli %scan3A_131#8, %mul3A_134 : vector<16xi32>
        %add3A_136 = arith.constant 0 : i32
        %add3A_137 = vector.broadcast %add3A_136 : i32 to vector<16xi32>
        %add3A_138 = arith.addi %iota3A_120, %add3A_137 : vector<16xi32>
        %add3A_139 = arith.addi %mul3A_135, %add3A_138 : vector<16xi32>
        %mul3A_140 = arith.constant 128 : i32
        %mul3A_141 = vector.broadcast %mul3A_140 : i32 to vector<16xi32>
        %mul3A_142 = arith.muli %scan3A_131#9, %mul3A_141 : vector<16xi32>
        %add3A_143 = arith.constant 16 : i32
        %add3A_144 = vector.broadcast %add3A_143 : i32 to vector<16xi32>
        %add3A_145 = arith.addi %iota3A_120, %add3A_144 : vector<16xi32>
        %add3A_146 = arith.addi %mul3A_142, %add3A_145 : vector<16xi32>
        %lt3A_147 = arith.cmpf olt, %scan3A_131#1, %scan3A_131#0 : vector<16xf32>
        %eq3A = arith.cmpf oeq, %scan3A_131#1, %scan3A_131#0 : vector<16xf32>
        %lt3A_148 = arith.cmpi slt, %add3A_146, %add3A_139 : vector<16xi32>
        %and3A = arith.andi %eq3A, %lt3A_148 : vector<16xi1>
        %or3A = arith.ori %lt3A_147, %and3A : vector<16xi1>
        %select_n3A = arith.select %or3A, %scan3A_131#1, %scan3A_131#0 : vector<16xi1>, vector<16xf32>
        %select_n3A_149 = arith.select %or3A, %add3A_146, %add3A_139 : vector<16xi1>, vector<16xi32>
        %mul3A_150 = arith.constant 128 : i32
        %mul3A_151 = vector.broadcast %mul3A_150 : i32 to vector<16xi32>
        %mul3A_152 = arith.muli %scan3A_131#10, %mul3A_151 : vector<16xi32>
        %add3A_153 = arith.constant 32 : i32
        %add3A_154 = vector.broadcast %add3A_153 : i32 to vector<16xi32>
        %add3A_155 = arith.addi %iota3A_120, %add3A_154 : vector<16xi32>
        %add3A_156 = arith.addi %mul3A_152, %add3A_155 : vector<16xi32>
        %lt3A_157 = arith.cmpf olt, %scan3A_131#2, %select_n3A : vector<16xf32>
        %eq3A_158 = arith.cmpf oeq, %scan3A_131#2, %select_n3A : vector<16xf32>
        %lt3A_159 = arith.cmpi slt, %add3A_156, %select_n3A_149 : vector<16xi32>
        %and3A_160 = arith.andi %eq3A_158, %lt3A_159 : vector<16xi1>
        %or3A_161 = arith.ori %lt3A_157, %and3A_160 : vector<16xi1>
        %select_n3A_162 = arith.select %or3A_161, %scan3A_131#2, %select_n3A : vector<16xi1>, vector<16xf32>
        %select_n3A_163 = arith.select %or3A_161, %add3A_156, %select_n3A_149 : vector<16xi1>, vector<16xi32>
        %mul3A_164 = arith.constant 128 : i32
        %mul3A_165 = vector.broadcast %mul3A_164 : i32 to vector<16xi32>
        %mul3A_166 = arith.muli %scan3A_131#11, %mul3A_165 : vector<16xi32>
        %add3A_167 = arith.constant 48 : i32
        %add3A_168 = vector.broadcast %add3A_167 : i32 to vector<16xi32>
        %add3A_169 = arith.addi %iota3A_120, %add3A_168 : vector<16xi32>
        %add3A_170 = arith.addi %mul3A_166, %add3A_169 : vector<16xi32>
        %lt3A_171 = arith.cmpf olt, %scan3A_131#3, %select_n3A_162 : vector<16xf32>
        %eq3A_172 = arith.cmpf oeq, %scan3A_131#3, %select_n3A_162 : vector<16xf32>
        %lt3A_173 = arith.cmpi slt, %add3A_170, %select_n3A_163 : vector<16xi32>
        %and3A_174 = arith.andi %eq3A_172, %lt3A_173 : vector<16xi1>
        %or3A_175 = arith.ori %lt3A_171, %and3A_174 : vector<16xi1>
        %select_n3A_176 = arith.select %or3A_175, %scan3A_131#3, %select_n3A_162 : vector<16xi1>, vector<16xf32>
        %select_n3A_177 = arith.select %or3A_175, %add3A_170, %select_n3A_163 : vector<16xi1>, vector<16xi32>
        %mul3A_178 = arith.constant 128 : i32
        %mul3A_179 = vector.broadcast %mul3A_178 : i32 to vector<16xi32>
        %mul3A_180 = arith.muli %scan3A_131#12, %mul3A_179 : vector<16xi32>
        %add3A_181 = arith.constant 64 : i32
        %add3A_182 = vector.broadcast %add3A_181 : i32 to vector<16xi32>
        %add3A_183 = arith.addi %iota3A_120, %add3A_182 : vector<16xi32>
        %add3A_184 = arith.addi %mul3A_180, %add3A_183 : vector<16xi32>
        %lt3A_185 = arith.cmpf olt, %scan3A_131#4, %select_n3A_176 : vector<16xf32>
        %eq3A_186 = arith.cmpf oeq, %scan3A_131#4, %select_n3A_176 : vector<16xf32>
        %lt3A_187 = arith.cmpi slt, %add3A_184, %select_n3A_177 : vector<16xi32>
        %and3A_188 = arith.andi %eq3A_186, %lt3A_187 : vector<16xi1>
        %or3A_189 = arith.ori %lt3A_185, %and3A_188 : vector<16xi1>
        %select_n3A_190 = arith.select %or3A_189, %scan3A_131#4, %select_n3A_176 : vector<16xi1>, vector<16xf32>
        %select_n3A_191 = arith.select %or3A_189, %add3A_184, %select_n3A_177 : vector<16xi1>, vector<16xi32>
        %mul3A_192 = arith.constant 128 : i32
        %mul3A_193 = vector.broadcast %mul3A_192 : i32 to vector<16xi32>
        %mul3A_194 = arith.muli %scan3A_131#13, %mul3A_193 : vector<16xi32>
        %add3A_195 = arith.constant 80 : i32
        %add3A_196 = vector.broadcast %add3A_195 : i32 to vector<16xi32>
        %add3A_197 = arith.addi %iota3A_120, %add3A_196 : vector<16xi32>
        %add3A_198 = arith.addi %mul3A_194, %add3A_197 : vector<16xi32>
        %lt3A_199 = arith.cmpf olt, %scan3A_131#5, %select_n3A_190 : vector<16xf32>
        %eq3A_200 = arith.cmpf oeq, %scan3A_131#5, %select_n3A_190 : vector<16xf32>
        %lt3A_201 = arith.cmpi slt, %add3A_198, %select_n3A_191 : vector<16xi32>
        %and3A_202 = arith.andi %eq3A_200, %lt3A_201 : vector<16xi1>
        %or3A_203 = arith.ori %lt3A_199, %and3A_202 : vector<16xi1>
        %select_n3A_204 = arith.select %or3A_203, %scan3A_131#5, %select_n3A_190 : vector<16xi1>, vector<16xf32>
        %select_n3A_205 = arith.select %or3A_203, %add3A_198, %select_n3A_191 : vector<16xi1>, vector<16xi32>
        %mul3A_206 = arith.constant 128 : i32
        %mul3A_207 = vector.broadcast %mul3A_206 : i32 to vector<16xi32>
        %mul3A_208 = arith.muli %scan3A_131#14, %mul3A_207 : vector<16xi32>
        %add3A_209 = arith.constant 96 : i32
        %add3A_210 = vector.broadcast %add3A_209 : i32 to vector<16xi32>
        %add3A_211 = arith.addi %iota3A_120, %add3A_210 : vector<16xi32>
        %add3A_212 = arith.addi %mul3A_208, %add3A_211 : vector<16xi32>
        %lt3A_213 = arith.cmpf olt, %scan3A_131#6, %select_n3A_204 : vector<16xf32>
        %eq3A_214 = arith.cmpf oeq, %scan3A_131#6, %select_n3A_204 : vector<16xf32>
        %lt3A_215 = arith.cmpi slt, %add3A_212, %select_n3A_205 : vector<16xi32>
        %and3A_216 = arith.andi %eq3A_214, %lt3A_215 : vector<16xi1>
        %or3A_217 = arith.ori %lt3A_213, %and3A_216 : vector<16xi1>
        %select_n3A_218 = arith.select %or3A_217, %scan3A_131#6, %select_n3A_204 : vector<16xi1>, vector<16xf32>
        %select_n3A_219 = arith.select %or3A_217, %add3A_212, %select_n3A_205 : vector<16xi1>, vector<16xi32>
        %mul3A_220 = arith.constant 128 : i32
        %mul3A_221 = vector.broadcast %mul3A_220 : i32 to vector<16xi32>
        %mul3A_222 = arith.muli %scan3A_131#15, %mul3A_221 : vector<16xi32>
        %add3A_223 = arith.constant 112 : i32
        %add3A_224 = vector.broadcast %add3A_223 : i32 to vector<16xi32>
        %add3A_225 = arith.addi %iota3A_120, %add3A_224 : vector<16xi32>
        %add3A_226 = arith.addi %mul3A_222, %add3A_225 : vector<16xi32>
        %lt3A_227 = arith.cmpf olt, %scan3A_131#7, %select_n3A_218 : vector<16xf32>
        %eq3A_228 = arith.cmpf oeq, %scan3A_131#7, %select_n3A_218 : vector<16xf32>
        %lt3A_229 = arith.cmpi slt, %add3A_226, %select_n3A_219 : vector<16xi32>
        %and3A_230 = arith.andi %eq3A_228, %lt3A_229 : vector<16xi1>
        %or3A_231 = arith.ori %lt3A_227, %and3A_230 : vector<16xi1>
        %select_n3A_232 = arith.select %or3A_231, %scan3A_131#7, %select_n3A_218 : vector<16xi1>, vector<16xf32>
        %select_n3A_233 = arith.select %or3A_231, %add3A_226, %select_n3A_219 : vector<16xi1>, vector<16xi32>
        %xor3A = arith.constant 8 : i32
        %xor3A_234 = vector.broadcast %xor3A : i32 to vector<16xi32>
        %xor3A_235 = arith.xori %iota3A_120, %xor3A_234 : vector<16xi32>
        %reshape3A = vector.shape_cast %xor3A_235 : vector<16xi32> to vector<16x1xi32>
        %gather3A = vector.shape_cast %reshape3A : vector<16x1xi32> to vector<16xi32>
        %gather3A_236 = tpu.dynamic_gather %select_n3A_232[%gather3A] in [0] : vector<16xf32>, vector<16xi32> -> vector<16xf32>
        %reshape3A_237 = vector.shape_cast %xor3A_235 : vector<16xi32> to vector<16x1xi32>
        %gather3A_238 = vector.shape_cast %reshape3A_237 : vector<16x1xi32> to vector<16xi32>
        %gather3A_239 = tpu.dynamic_gather %select_n3A_233[%gather3A_238] in [0] : vector<16xi32>, vector<16xi32> -> vector<16xi32>
        %lt3A_240 = arith.cmpf olt, %gather3A_236, %select_n3A_232 : vector<16xf32>
        %eq3A_241 = arith.cmpf oeq, %gather3A_236, %select_n3A_232 : vector<16xf32>
        %lt3A_242 = arith.cmpi slt, %gather3A_239, %select_n3A_233 : vector<16xi32>
        %and3A_243 = arith.andi %eq3A_241, %lt3A_242 : vector<16xi1>
        %or3A_244 = arith.ori %lt3A_240, %and3A_243 : vector<16xi1>
        %select_n3A_245 = arith.select %or3A_244, %gather3A_236, %select_n3A_232 : vector<16xi1>, vector<16xf32>
        %select_n3A_246 = arith.select %or3A_244, %gather3A_239, %select_n3A_233 : vector<16xi1>, vector<16xi32>
        %xor3A_247 = arith.constant 4 : i32
        %xor3A_248 = vector.broadcast %xor3A_247 : i32 to vector<16xi32>
        %xor3A_249 = arith.xori %iota3A_120, %xor3A_248 : vector<16xi32>
        %reshape3A_250 = vector.shape_cast %xor3A_249 : vector<16xi32> to vector<16x1xi32>
        %gather3A_251 = vector.shape_cast %reshape3A_250 : vector<16x1xi32> to vector<16xi32>
        %gather3A_252 = tpu.dynamic_gather %select_n3A_245[%gather3A_251] in [0] : vector<16xf32>, vector<16xi32> -> vector<16xf32>
        %reshape3A_253 = vector.shape_cast %xor3A_249 : vector<16xi32> to vector<16x1xi32>
        %gather3A_254 = vector.shape_cast %reshape3A_253 : vector<16x1xi32> to vector<16xi32>
        %gather3A_255 = tpu.dynamic_gather %select_n3A_246[%gather3A_254] in [0] : vector<16xi32>, vector<16xi32> -> vector<16xi32>
        %lt3A_256 = arith.cmpf olt, %gather3A_252, %select_n3A_245 : vector<16xf32>
        %eq3A_257 = arith.cmpf oeq, %gather3A_252, %select_n3A_245 : vector<16xf32>
        %lt3A_258 = arith.cmpi slt, %gather3A_255, %select_n3A_246 : vector<16xi32>
        %and3A_259 = arith.andi %eq3A_257, %lt3A_258 : vector<16xi1>
        %or3A_260 = arith.ori %lt3A_256, %and3A_259 : vector<16xi1>
        %select_n3A_261 = arith.select %or3A_260, %gather3A_252, %select_n3A_245 : vector<16xi1>, vector<16xf32>
        %select_n3A_262 = arith.select %or3A_260, %gather3A_255, %select_n3A_246 : vector<16xi1>, vector<16xi32>
        %xor3A_263 = arith.constant 2 : i32
        %xor3A_264 = vector.broadcast %xor3A_263 : i32 to vector<16xi32>
        %xor3A_265 = arith.xori %iota3A_120, %xor3A_264 : vector<16xi32>
        %reshape3A_266 = vector.shape_cast %xor3A_265 : vector<16xi32> to vector<16x1xi32>
        %gather3A_267 = vector.shape_cast %reshape3A_266 : vector<16x1xi32> to vector<16xi32>
        %gather3A_268 = tpu.dynamic_gather %select_n3A_261[%gather3A_267] in [0] : vector<16xf32>, vector<16xi32> -> vector<16xf32>
        %reshape3A_269 = vector.shape_cast %xor3A_265 : vector<16xi32> to vector<16x1xi32>
        %gather3A_270 = vector.shape_cast %reshape3A_269 : vector<16x1xi32> to vector<16xi32>
        %gather3A_271 = tpu.dynamic_gather %select_n3A_262[%gather3A_270] in [0] : vector<16xi32>, vector<16xi32> -> vector<16xi32>
        %lt3A_272 = arith.cmpf olt, %gather3A_268, %select_n3A_261 : vector<16xf32>
        %eq3A_273 = arith.cmpf oeq, %gather3A_268, %select_n3A_261 : vector<16xf32>
        %lt3A_274 = arith.cmpi slt, %gather3A_271, %select_n3A_262 : vector<16xi32>
        %and3A_275 = arith.andi %eq3A_273, %lt3A_274 : vector<16xi1>
        %or3A_276 = arith.ori %lt3A_272, %and3A_275 : vector<16xi1>
        %select_n3A_277 = arith.select %or3A_276, %gather3A_268, %select_n3A_261 : vector<16xi1>, vector<16xf32>
        %select_n3A_278 = arith.select %or3A_276, %gather3A_271, %select_n3A_262 : vector<16xi1>, vector<16xi32>
        %xor3A_279 = arith.constant 1 : i32
        %xor3A_280 = vector.broadcast %xor3A_279 : i32 to vector<16xi32>
        %xor3A_281 = arith.xori %iota3A_120, %xor3A_280 : vector<16xi32>
        %reshape3A_282 = vector.shape_cast %xor3A_281 : vector<16xi32> to vector<16x1xi32>
        %gather3A_283 = vector.shape_cast %reshape3A_282 : vector<16x1xi32> to vector<16xi32>
        %gather3A_284 = tpu.dynamic_gather %select_n3A_277[%gather3A_283] in [0] : vector<16xf32>, vector<16xi32> -> vector<16xf32>
        %reshape3A_285 = vector.shape_cast %xor3A_281 : vector<16xi32> to vector<16x1xi32>
        %gather3A_286 = vector.shape_cast %reshape3A_285 : vector<16x1xi32> to vector<16xi32>
        %gather3A_287 = tpu.dynamic_gather %select_n3A_278[%gather3A_286] in [0] : vector<16xi32>, vector<16xi32> -> vector<16xi32>
        %lt3A_288 = arith.cmpf olt, %gather3A_284, %select_n3A_277 : vector<16xf32>
        %eq3A_289 = arith.cmpf oeq, %gather3A_284, %select_n3A_277 : vector<16xf32>
        %lt3A_290 = arith.cmpi slt, %gather3A_287, %select_n3A_278 : vector<16xi32>
        %and3A_291 = arith.andi %eq3A_289, %lt3A_290 : vector<16xi1>
        %or3A_292 = arith.ori %lt3A_288, %and3A_291 : vector<16xi1>
        %select_n3A_293 = arith.select %or3A_292, %gather3A_284, %select_n3A_277 : vector<16xi1>, vector<16xf32>
        %select_n3A_294 = arith.select %or3A_292, %gather3A_287, %select_n3A_278 : vector<16xi1>, vector<16xi32>
        %add3A_295 = arith.constant 12 : i32
        %add3A_296 = arith.addi %add3A_295, %scan3A_118 : i32
        %eq3A_297 = vector.broadcast %add3A_296 : i32 to vector<16xi32>
        %eq3A_298 = arith.cmpi eq, %iota3A, %eq3A_297 : vector<16xi32>
        %select_n3A_299 = arith.select %eq3A_298, %select_n3A_294, %scan3A_119 : vector<16xi1>, vector<16xi32>
        scf.yield %select_n3A_299 : vector<16xi32>
      }
      %scan3A_105 = arith.constant 4 : i32
      %add3A_106 = arith.constant 2 : i32
      %add3A_107 = arith.addi %add3A_93, %add3A_106 : i32
      %lt3A_108 = arith.constant 12 : i32
      %lt3A_109 = arith.cmpi slt, %add3A_107, %lt3A_108 : i32
      %convert_element_type3A_110 = arith.extui %lt3A_109 : i1 to i32
      %cond3A_111 = arith.constant 0 : i32
      %cond3A_112 = arith.cmpi ne, %convert_element_type3A_110, %cond3A_111 : i32
      scf.if %cond3A_112 {
        %add3A_118 = arith.constant 2 : i32
        %add3A_119 = arith.addi %add3A_93, %add3A_118 : i32
        %mul3A_120 = arith.constant 4 : i32
        %mul3A_121 = arith.muli %add3A_119, %mul3A_120 : i32
        %add3A_122 = arith.addi %mul3A_2, %mul3A_121 : i32
        %dma_start3A_123 = arith.constant 0 : i32
        %dma_start3A_124 = tpu.memref_slice %arg2[%add3A_122, %dma_start3A_123] : memref<4096x8192xf32, #tpu.memory_space<hbm>> -> memref<4x8192xf32, #tpu.memory_space<hbm>>
        %dma_start3A_125 = arith.constant 0 : i32
        %dma_start3A_126 = tpu.memref_slice %arg2[%add3A_122, %dma_start3A_125] : memref<4096x8192xf32, #tpu.memory_space<hbm>> -> memref<4x8192xf32, #tpu.memory_space<hbm>>
        tpu.enqueue_dma source(%dma_start3A_126 : memref<4x8192xf32, #tpu.memory_space<hbm>>) target(%arg6 : memref<4x8192xf32, #tpu.memory_space<vmem>>) target_semaphore(%arg10 : memref<!tpu.dma_semaphore, #tpu.memory_space<semaphore_mem>>)
      } else {
      }
      %mul3A_113 = arith.constant 16 : i32
      %mul3A_114 = arith.muli %scan3A_22, %mul3A_113 : i32
      %swap3A = arith.index_cast %mul3A_114 : i32 to index
      %swap3A_115 = tpu.vector_load %arg7[%swap3A] {strides = array<i32>} : memref<48xi32, #tpu.memory_space<vmem>>, vector<16xi32>,
      %swap3A_116 = vector.shape_cast %swap3A_115 : vector<16xi32> to vector<16xi32>
      %swap3A_117 = vector.shape_cast %scan3A_104 : vector<16xi32> to vector<16xi32>
      tpu.vector_store %arg7[%swap3A], %swap3A_117 {strides = array<i32>} : memref<48xi32, #tpu.memory_space<vmem>>, vector<16xi32>,
    }
    %scan3A_18 = arith.constant 3 : i32
    %dma_start3A_19 = arith.constant 0 : i32
    %dma_start3A_20 = tpu.memref_slice %arg3[%dma_start3A_19] : memref<8192xi32, #tpu.memory_space<hbm>> -> memref<8192xi32, #tpu.memory_space<hbm>>
    tpu.enqueue_indirect_dma source(%dma_start3A_20 : memref<8192xi32, #tpu.memory_space<hbm>>) target(%arg8 : memref<48xi32, #tpu.memory_space<vmem>>) offsets(%arg7 : memref<48xi32, #tpu.memory_space<vmem>>) semaphore(%arg11 : memref<!tpu.dma_semaphore, #tpu.memory_space<semaphore_mem>>)
    %dma_wait3A = arith.constant 0 : i32
    %dma_wait3A_21 = tpu.memref_slice %arg3[%dma_wait3A] : memref<8192xi32, #tpu.memory_space<hbm>> -> memref<8192xi32, #tpu.memory_space<hbm>>
    tpu.wait_indirect_dma semaphore(%arg11 : memref<!tpu.dma_semaphore, #tpu.memory_space<semaphore_mem>>) src(%dma_wait3A_21 : memref<8192xi32, #tpu.memory_space<hbm>>) dst(%arg8 : memref<48xi32, #tpu.memory_space<vmem>>)
    "tpu.region"() ({
      %run_scoped3A = tpu.sem_alloc : memref<!tpu.dma_semaphore, #tpu.memory_space<semaphore_mem>>
      %dma_start3A_22 = tpu.memref_slice %arg4[%mul3A_2] : memref<1536xi32, #tpu.memory_space<hbm>> -> memref<48xi32, #tpu.memory_space<hbm>>
      %dma_start3A_23 = tpu.memref_slice %arg4[%mul3A_2] : memref<1536xi32, #tpu.memory_space<hbm>> -> memref<48xi32, #tpu.memory_space<hbm>>
      tpu.enqueue_dma source(%arg8 : memref<48xi32, #tpu.memory_space<vmem>>) target(%dma_start3A_23 : memref<48xi32, #tpu.memory_space<hbm>>) target_semaphore(%run_scoped3A : memref<!tpu.dma_semaphore, #tpu.memory_space<semaphore_mem>>)
      %dma_wait3A_24 = tpu.memref_slice %arg4[%mul3A_2] : memref<1536xi32, #tpu.memory_space<hbm>> -> memref<48xi32, #tpu.memory_space<hbm>>
      %dma_wait3A_25 = tpu.memref_slice %arg4[%mul3A_2] : memref<1536xi32, #tpu.memory_space<hbm>> -> memref<48xi32, #tpu.memory_space<hbm>>
      tpu.wait_dma2 semaphore(%run_scoped3A : memref<!tpu.dma_semaphore, #tpu.memory_space<semaphore_mem>>) src(%arg8 : memref<48xi32, #tpu.memory_space<vmem>>) dst(%dma_wait3A_25 : memref<48xi32, #tpu.memory_space<hbm>>)
      tpu.yield
    }) : () -> ()
    return
  }
}

module attributes {stable_mosaic.version = 14 : i64} {
  func.func @_wtac_tc_body(%arg0: i32, %arg1: memref<8192xi32, #tpu.memory_space<vmem>>, %arg2: memref<128x8192xf32, #tpu.memory_space<vmem>>, %arg3: memref<128xi32, #tpu.memory_space<vmem>>) attributes {dimension_semantics = [#tpu.dimension_semantics<arbitrary>], iteration_bounds = array<i64: 20>, scalar_prefetch = 0 : i64, scratch_operands = 0 : i64, tpu.core_type = #tpu.core_type<tc>, window_params = [{pipeline_mode = #tpu.pipeline_mode<synchronous>, transform_indices = @transform_0, window_bounds = array<i64: 8192>}, {transform_indices = @transform_1, window_bounds = array<i64: 128, 8192>}, {transform_indices = @transform_2, window_bounds = array<i64: 128>}]} {
    %get3A = arith.constant 0 : index
    %get3A_0 = arith.constant 0 : index
    %get3A_1 = vector.load %arg2[%get3A, %get3A_0] : memref<128x8192xf32, #tpu.memory_space<vmem>>, vector<128x8192xf32>
    %get3A_2 = arith.constant 0 : index
    %get3A_3 = vector.load %arg1[%get3A_2] : memref<8192xi32, #tpu.memory_space<vmem>>, vector<8192xi32>
    %reduce_min3A = arith.constant dense<0x7F800000> : vector<128xf32>
    %reduce_min3A_4 = vector.multi_reduction <minimumf>, %get3A_1, %reduce_min3A [1] : vector<128x8192xf32> to vector<128xf32>
    %broadcast_in_dim3A = vector.shape_cast %reduce_min3A_4 : vector<128xf32> to vector<128x1xf32>
    %iota3A = tpu.iota {dimensions = array<i32: 1>} : vector<128x8192xi32>
    %shift_left3A = arith.constant 13 : i32
    %shift_left3A_5 = vector.broadcast %shift_left3A : i32 to vector<128x8192xi32>
    %shift_left3A_6 = arith.shli %iota3A, %shift_left3A_5 : vector<128x8192xi32>
    %broadcast_in_dim3A_7 = vector.shape_cast %get3A_3 : vector<8192xi32> to vector<1x8192xi32>
    %or3A = vector.broadcast %broadcast_in_dim3A_7 : vector<1x8192xi32> to vector<128x8192xi32>
    %or3A_8 = arith.ori %shift_left3A_6, %or3A : vector<128x8192xi32>
    %eq3A = vector.broadcast %broadcast_in_dim3A : vector<128x1xf32> to vector<128x8192xf32>
    %eq3A_9 = arith.cmpf oeq, %get3A_1, %eq3A : vector<128x8192xf32>
    %jit3A = arith.constant 2147483647 : i32
    %broadcast_in_dim3A_10 = vector.broadcast %jit3A : i32 to vector<128x8192xi32>
    %select_n3A = arith.select %eq3A_9, %or3A_8, %broadcast_in_dim3A_10 : vector<128x8192xi1>, vector<128x8192xi32>
    %reduce_min3A_11 = arith.constant dense<2147483647> : vector<128xi32>
    %reduce_min3A_12 = vector.multi_reduction <minsi>, %select_n3A, %reduce_min3A_11 [1] : vector<128x8192xi32> to vector<128xi32>
    %and3A = arith.constant 8191 : i32
    %and3A_13 = vector.broadcast %and3A : i32 to vector<128xi32>
    %and3A_14 = arith.andi %reduce_min3A_12, %and3A_13 : vector<128xi32>
    %swap3A = arith.constant 0 : index
    %swap3A_15 = vector.load %arg3[%swap3A] : memref<128xi32, #tpu.memory_space<vmem>>, vector<128xi32>
    tpu.vector_store %arg3[%swap3A], %and3A_14 {strides = array<i32>} : memref<128xi32, #tpu.memory_space<vmem>>, vector<128xi32>,
    return
  }
  func.func @transform_0(%arg0: i32) -> i32 {
    %c0_i32 = arith.constant 0 : i32
    %c0_i32_0 = arith.constant 0 : i32
    return %c0_i32 : i32
  }
  func.func @transform_1(%arg0: i32) -> (i32, i32) {
    %add3A = arith.constant 12 : i32
    %add3A_0 = arith.addi %arg0, %add3A : i32
    %c0_i32 = arith.constant 0 : i32
    %c0_i32_1 = arith.constant 0 : i32
    return %add3A_0, %c0_i32 : i32, i32
  }
  func.func @transform_2(%arg0: i32) -> i32 {
    %c0_i32 = arith.constant 0 : i32
    return %arg0 : i32
  }
}

</mosaic_0001>

<sc_bundles>
// kernel: _wtac.4.cloned.1.call-start
scs
__scs_entry_jumppad:
0x0: {  	(pc) =	sbr.rel $0x88, $3  }
0x1: {  	(tag) =	ssettag $0x0;
	lr =	simm.s32 $0x1  }
0x2: {  	[smem:$0x3F9F] =	sst lr;
	_ =	strace $0xD0000000  }
0x3: {  	_ = 	snop  }
0x4: {  	_ = 	snop  }
0x5: {  	_ = 	snop  }
0x6: {  	_ = 	snop  }
0x7: {  	_ = 	snop  }
__scs_overlays_trampoline_lowered:
0x8: {  	[smem:$0x3FAE] =	sst s0  }
0x9: {  	[smem:$0x3FAF] =	sst s1  }
0xa: {  	[smem:$0x3FB0] =	sst s2  }
0xb: {  	[smem:$0x3FB1] =	sst s3  }
0xc: {  	[smem:$0x3FB2] =	sst s4  }
0xd: {  	[smem:$0x3FB3] =	sst s5  }
0xe: {  	[smem:$0x3FB4] =	sst s6  }
0xf: {  	[smem:$0x3FB5] =	sst s7  }
0x10: {  	[smem:$0x3FB6] =	sst s8  }
0x11: {  	[smem:$0x3FB7] =	sst s9;
	s0 =	simm.s32 @!p0 $0x0  }
0x12: {  	s1 =	sld [smem:$0x3F9D];
	s0 =	simm.s32 @p0 $0x1  }
0x13: {  	[smem:$0x3FB8] =	sst s0;
	s0 =	simm.s32 @!p1 $0x0  }
0x14: {  	s2 =	sld [smem:$0x3F9C];
	s0 =	simm.s32 @p1 $0x1  }
0x15: {  	[smem:$0x3FB9] =	sst s0;
	s0 =	simm.s32 @!p2 $0x0  }
0x16: {  	s3 =	sld [smem:$0x3FDB];
	s0 =	simm.s32 @p2 $0x1  }
0x17: {  	s4 =	simm.s32 $0x1BF5;
	[smem:$0x3FBB] =	sst s0  }
0x18: {  	s0 =	sld [smem:$0x3F9E];
	_ =	swait.ge [sflag:s4], $0x0  }
0x19: {  	s7 =	sld [smem:$0x3F9F]  }
0x1a: {  	s8 =	sadd.s32 $0xFFFFE003, lr  }
0x1b: {  	s9 =	sadd.s32 $0xFFFFFEF7, lr;
	s5 =	simm.s32 $0xFFFFFFFF;
	p2 =	slt.u32 s8, $0xFFFFF086  }
0x1c: {  	p1 =	slt.u32 s9, $0xF7A;
	s5 =	simm.s32 @!p2 $0x0  }
0x1d: {  	s5 =	simm.s32 @p1 $0x1;
	p0 =	seq.s32 s7, s2  }
0x1e: {  	s7 =	smul.u32 @!p0 $0xF7A, s2;
	p2 =	seq.s32 @!p0 s5, $0x0  }
0x1f: {  	s9 =	smul.u32 $0xF7A, s1;
	s8 =	simm.s32 @!p0 $0x1BF5;
	p2 =	por !p2, p0  }
0x20: {  	[sflag:s8] =	ssyncset.s32 @!p0 $0xFFFFF086;
	s6 =	sadd.s32 @!p0 s3, s7;
	s7 =	simm.s32 @!p0 $0x108  }
0x21: {  	s3 =	sadd.s32 s3, s9;
	s6 =	sadd.s32 @!p0 $0x88, s6;
	s7 =	simm.s32 @p2 $0x1082  }
0x22: {  	[simem:s7], [sflag:s8] =	dma.local @!p0 [hbm:s6], $0xF7A  }
0x23: {  	s9 =	sor.u32 $0xD0000000, s2;
	s6 =	simm.s32 $0x108;
	_ =	swait.ge @!p0 [sflag:s8], $0x0  }
0x24: {  	s3 =	sadd.s32 $0x88, s3;
	s6 =	simm.s32 @!p1 $0x1082;
	[sflag:s4] =	ssyncset.s32 $0xFFFFF086  }
0x25: {  	[simem:s6], [sflag:s4] =	dma.local [hbm:s3], $0xF7A  }
0x26: {  	[smem:$0x3F9F] =	sst s1;
	(tag) =	ssettag s2;
	_ =	strace s9  }
0x27: {  	s1 =	sld [smem:$0x3FAF]  }
0x28: {  	s2 =	sld [smem:$0x3FB0]  }
0x29: {  	s4 =	sld [smem:$0x3FB2]  }
0x2a: {  	p0 =	seq.s32 s5, $0x0;
	s5 =	sld [smem:$0x3FB3]  }
0x2b: {  	s6 =	sld [smem:$0x3FB4]  }
0x2c: {  	s7 =	sld [smem:$0x3FB5]  }
0x2d: {  	s3 =	simm.s32 $0x108;
	s8 =	sld [smem:$0x3FB6]  }
0x2e: {  	s3 =	simm.s32 @!p0 $0x1082;
	s9 =	sld [smem:$0x3FB7]  }
0x2f: {  	lr =	sadd.s32 s0, s3;
	s0 =	sld [smem:$0x3FAE]  }
0x30: {  	s3 =	sld [smem:$0x3FB1]  }
0x31: {  	[smem:$0x3FBA] =	sst s10  }
0x32: {  	s10 =	sld [smem:$0x3FB8];
	_ =	sdelay $0x3  }
0x33: {  	p0 =	seq.s32 s10, $0x1;
	s10 =	sld [smem:$0x3FBA];
	_ =	sdelay $0x3  }
0x34: {  	[smem:$0x3FBA] =	sst s10  }
0x35: {  	s10 =	sld [smem:$0x3FB9];
	_ =	sdelay $0x3  }
0x36: {  	p1 =	seq.s32 s10, $0x1;
	s10 =	sld [smem:$0x3FBA];
	_ =	sdelay $0x3  }
0x37: {  	[smem:$0x3FBA] =	sst s10  }
0x38: {  	s10 =	sld [smem:$0x3FBB]  }
0x39: {  	_ = 	snop;
	(pc) =	sbr.ind lr, $3  }
0x3a: {  	_ = 	snop  }
0x3b: {  	_ = 	snop  }
0x3c: {  	p2 =	seq.s32 s10, $0x1;
	s10 =	sld [smem:$0x3FBA]  }
0x3d: {  	_ =	shalt  }
0x3e: {  	_ =	shalt  }
0x3f: {  	_ =	shalt  }
0x40: {  	_ =	shalt  }
0x41: {  	_ =	shalt  }
0x42: {  	_ =	shalt  }
0x43: {  	_ =	shalt  }
0x44: {  	_ =	shalt  }
0x45: {  	_ =	shalt  }
0x46: {  	_ =	shalt  }
0x47: {  	_ =	shalt  }
0x48: {  	_ =	shalt  }
0x49: {  	_ =	shalt  }
0x4a: {  	_ =	shalt  }
0x4b: {  	_ =	shalt  }
0x4c: {  	_ =	shalt  }
0x4d: {  	_ =	shalt  }
0x4e: {  	_ =	shalt  }
0x4f: {  	_ =	shalt  }
0x50: {  	_ =	shalt  }
0x51: {  	_ =	shalt  }
0x52: {  	_ =	shalt  }
0x53: {  	_ =	shalt  }
0x54: {  	_ =	shalt  }
0x55: {  	_ =	shalt  }
0x56: {  	_ =	shalt  }
0x57: {  	_ =	shalt  }
0x58: {  	_ =	shalt  }
0x59: {  	_ =	shalt  }
0x5a: {  	_ =	shalt  }
0x5b: {  	_ =	shalt  }
0x5c: {  	_ =	shalt  }
0x5d: {  	_ =	shalt  }
0x5e: {  	_ =	shalt  }
0x5f: {  	_ =	shalt  }
0x60: {  	_ =	shalt  }
0x61: {  	_ =	shalt  }
0x62: {  	_ =	shalt  }
0x63: {  	_ =	shalt  }
0x64: {  	_ =	shalt  }
0x65: {  	_ =	shalt  }
0x66: {  	_ =	shalt  }
0x67: {  	_ =	shalt  }
0x68: {  	_ =	shalt  }
0x69: {  	_ =	shalt  }
0x6a: {  	_ =	shalt  }
0x6b: {  	_ =	shalt  }
0x6c: {  	_ =	shalt  }
0x6d: {  	_ =	shalt  }
0x6e: {  	_ =	shalt  }
0x6f: {  	_ =	shalt  }
0x70: {  	_ =	shalt  }
0x71: {  	_ =	shalt  }
0x72: {  	_ =	shalt  }
0x73: {  	_ =	shalt  }
0x74: {  	_ =	shalt  }
0x75: {  	_ =	shalt  }
0x76: {  	_ =	shalt  }
0x77: {  	_ =	shalt  }
0x78: {  	_ =	shalt  }
0x79: {  	_ =	shalt  }
0x7a: {  	_ =	shalt  }
0x7b: {  	_ =	shalt  }
0x7c: {  	_ =	shalt  }
0x7d: {  	_ =	shalt  }
0x7e: {  	_ =	shalt  }
0x7f: {  	_ =	shalt  }
0x80: {  	_ =	shalt  }
0x81: {  	_ =	shalt  }
0x82: {  	_ =	shalt  }
0x83: {  	_ =	shalt  }
0x84: {  	_ =	shalt  }
0x85: {  	_ =	shalt  }
0x86: {  	_ =	shalt  }
0x87: {  	_ =	shalt  }
.Lfunc_end0:
.L_simem_size_0:
called_computation_lowered:
.L_overlay_start_0:
0x88: {  	s2 =	sld [smem:$0x3FD9]  }
0x89: {  	s3 =	sld [smem:$0x3FFE];
	_ =	sdelay $0x1  }
0x8a: {  	s1 =	srdreg.scid  }
0x8b: {  	s0 =	sand.u32 $0x1, s1  }
0x8c: {  	s17 =	sshll.u32 s0, $0xA;
	s2 =	sadd.s32 s3, s2  }
0x8d: {  	s2 =	sadd.s32 s2, s17  }
0x8e: {  	[smem:$0x3FC6] =	sst s2  }
0x8f: {  	_ = 	snop  }
0x90: {  	s2 =	sld [smem:$0x3FC9]  }
0x91: {  	s18 =	sld [smem:$0x3FC8];
	(tm) =	ssettm $0x1  }
0x92: {  	s4 =	sld [smem:$0x3FFB];
	_ =	sdelay $0x3  }
0x93: {  	_ =	strace s4  }
0x94: {  	s4 =	sld [smem:$0x3FFC];
	_ =	sdelay $0x3  }
0x95: {  	_ =	strace s4  }
0x96: {  	s4 =	sld [smem:$0x3FFD];
	_ =	sdelay $0x3  }
0x97: {  	_ =	strace s4  }
0x98: {  	_ =	strace $0x8FFFFFFF  }
0x99: {  	s19 =	sld [smem:$0x3FDB];
	_ =	sdelay $0x1  }
0x9a: {  	s5 =	simm.s32 $_scs_section_size  }
0x9b: {  	s6 =	simm.s32 $_size__tile_overlayer_lowered;
	s7 =	simm.s32 $_tile_overlayer_lowered  }
0x9c: {  	s22 =	simm.s32 $0x1BFF;
	s21 =	sshll.u32 s7, $0x1;
	s4 =	sadd.s32 s5, s19  }
0x9d: {  	s8 =	simm.s32 $0x0;
	s20 =	sshll.u32 s6, $0x1;
	s6 =	sadd.s32 s21, s4  }
0x9e: {  	[timem:s8], [sflag:s22] =	dma.local [hbm:s6], s20  }
0x9f: {  	_ =	swait.ge [sflag:s22], s20  }
0xa0: {  	s5 =	ssub.s32 $0x0, s20;
	[sflag:s22] =	ssyncset.done $0x0  }
0xa1: {  	[sflag:s22] =	ssyncadd.s32 s5;
	_ =	sdelay $0x1  }
0xa2: {  	s23 =	simm.s32 $0x1B8B  }
0xa3: {  	_ =	swait.ge [sflag:s23], $0x1  }
0xa4: {  	[sflag:s23] =	ssyncset.done $0x0  }
0xa5: {  	s25 =	simm.s32 $0x1B8E;
	s24 =	sld [smem:$0x3FFE];
	[sflag:s23] =	ssyncadd.s32 $0xFFFFFFFF  }
0xa6: {  	s26 =	simm.s32 $execute0_lowered;
	[smem:$0x3FD2] =	sst s25  }
0xa7: {  	s6 =	sshll.u32 s26, $0x1;
	_ =	strace $0x80000046;
	[dreg:$0x1] =	wrdreg $0xFFFFFFFF  }
0xa8: {  	s28 =	simm.s32 $_size_execute0_lowered;
	s4 =	sadd.s32 s4, s6;
	[dreg:$0x0] =	wrdreg $0x0  }
0xa9: {  	s6 =	sshll.u32 s28, $0x1;
	[dreg:$0x2] =	wrdreg s4  }
0xaa: {  	[dreg:$0x3] =	wrdreg s6  }
0xab: {  	[dreg:$0x4] =	wrdreg $0xC0  }
0xac: {  	_ =	task [dreg:s8], $0x5FFFF  }
0xad: {  	[dreg:$0x1] =	wrdreg $0xFFFFFFFF  }
0xae: {  	[dreg:$0x0] =	wrdreg $0x60  }
0xaf: {  	[dreg:$0x2] =	wrdreg s2  }
0xb0: {  	[dreg:$0x3] =	wrdreg s18  }
0xb1: {  	[dreg:$0x4] =	wrdreg s24  }
0xb2: {  	[dreg:$0x5] =	wrdreg $0x9  }
0xb3: {  	_ =	task.clear_ibuf [dreg:s8], $0x6FFFF;
	_ =	strace $0x90000046  }
0xb4: {  	s29 =	simm.s32 $0x9;
	_ =	strace $0x80000048  }
0xb5: {  	_ =	swait.ge [sflag:s29], $0x1  }
0xb6: {  	[sflag:s29] =	ssyncadd.s32 $0xFFFFFFFF  }
0xb7: {  	_ =	strace $0x90000048  }
0xb8: {  	_ =	sfence  }
0xb9: {  	s30 =	sld [smem:$0x0];
	_ =	sdelay $0x2  }
0xba: {  	s31 =	sshll.u32 s1, $0xD;
	s1 =	sshrl.u32 s1, $0x2  }
0xbb: {  	s3 =	sand.u32 $0x4000, s31;
	s1 =	sadd.s32 s1, s30  }
0xbc: {  	s0 =	sor.u32 s3, s0;
	s1 =	sshll.u32 s1, $0x11  }
0xbd: {  	s0 =	sor.u32 s1, s0  }
0xbe: {  	s0 =	sadd.s32 $0x8F2B, s0  }
0xbf: {  	[sflag:s0] =	ssyncadd.remote.s32 $0x1  }
0xc0: {  	_ =	sfence.sel $0xFFFF  }
0xc1: {  	[dreg:$0x0] =	wrdreg $0xFFFFFFFF;
	(pc) =	sbr.abs _section_cstart, $3  }
0xc2: {  	[dreg:$0x1] =	wrdreg $0xFFFFFFFF  }
0xc3: {  	_ =	task.clear_ibuf [dreg:s8], $0x2FFFF;
	_ =	strace $0x9FFFFFFF  }
0xc4: {  	(tm) =	ssettm $0x7FFFFFFF  }
0xc5: {  	_ =	shalt  }
tec
execute0_lowered:
.L_overlay_start_1:
0x0: {  	(tag) =	ssettag $0x1  }
0x1: {  	s0 =	rddreg [dreg:$0x0]  }
0x2: {  	s1 =	rddreg [dreg:$0x1];
	v0 =	vlaneseq.u32  }
0x3: {  	s5 =	rddreg [dreg:$0x2];
	v2 =	vimm.s32 $0xFEDCBA98;
	v6 =	vimm.s32 $0x76543210;
	v8 =	vimm.s32 $0x32107654  }
0x4: {  	s4 =	srdreg.scid;
	s2 =	stileid.u32;
	v9 =	vimm.s32 $0xDCFE98BA;
	v10 =	vimm.s32 $0x54761032;
	v11 =	vimm.s32 $0xEFCDAB89  }
0x5: {  	s3 =	simm.s32 $0x0;
	v12 =	vimm.s32 $0x67452301;
	s13 =	simm.s32 $0x400;
	s14 =	simm.s32 $0x8000;
	v1 =	vor.u32 $0x10, v0;
	v5 =	vunpack.c.l.s4.s8 v2  }
0x6: {  	s15 =	simm.s32 $0x1;
	s16 =	simm.s32 $0x2;
	s17 =	simm.s32 $0x30;
	v2 =	vor.u32 $0x20, v0;
	v3 =	vor.u32 $0x30, v0;
	v4 =	vor.u32 $0x40, v0  }
0x7: {  	s18 =	simm.s32 $0x10000;
	s6 =	sand.u32 $0x1, s4;
	s30 =	sshll.u32 s2, $0x1;
	v9 =	vunpack.c.l.s4.s8 v9;
	v10 =	vunpack.c.l.s4.s8 v10;
	v11 =	vunpack.c.l.s4.s8 v11  }
0x8: {  	s19 =	simm.s32 $0x10080;
	s20 =	simm.s32 $0x3;
	v12 =	vunpack.c.l.s4.s8 v12;
	s7 =	sor.u32 s6, s30;
	v7 =	vunpack.c.0.s8.s32 v5;
	v5 =	vimm.s32 $0xBA98FEDC  }
0x9: {  	s21 =	simm.s32 $0x4;
	s22 =	simm.s32 $0x0;
	v8 =	vunpack.c.l.s4.s8 v8;
	s8 =	smul.u32 $0x6, s7;
	v9 =	vunpack.c.0.s8.s32 v9;
	v5 =	vunpack.c.l.s4.s8 v5  }
0xa: {  	[smem:$0x7FF] =	sst s3;
	s6 =	ssub.s32 $0x2, s6;
	s9 =	smul.u32 $0xC000, s7;
	v10 =	vunpack.c.0.s8.s32 v10;
	v11 =	vunpack.c.0.s8.s32 v11;
	v12 =	vunpack.c.0.s8.s32 v12  }
.Ltmp0:
0xb: {  	v6 =	vunpack.c.l.s4.s8 v6;
	s4 =	rddreg [dreg:$0x3];
	s31 =	sshrl.u32 s6, $0x1;
	v8 =	vunpack.c.0.s8.s32 v8;
	v5 =	vunpack.c.0.s8.s32 v5;
	(pc) =	sbr.rel .LBB2_1-.Ltmp0, $4  }
0xc: {  	_ =	strace $0x80000047;
	s11 =	smul.u32 $0x60000, s7;
	s12 =	ssub.s32 s6, s31;
	v14 =	vand.u32 $0xF, v7;
	v10 =	vcombine.low v10, v9;
	v11 =	vcombine.low v12, v11  }
0xd: {  	s10 =	sadd.s32 s8, s5;
	s5 =	sadd.s32 $0x40, s0;
	s6 =	sadd.s32 s0, s9;
	v7 =	vor.u32 $0x70, v0;
	v13 =	vcombine.low v8, v5;
	v8 =	vunpack.c.0.s8.s32 v6  }
0xe: {  	s8 =	sor.u32 $0x10000, s11;
	s7 =	sadd.s32 s9, s5;
	s9 =	sadd.s32 $0x20000, s11;
	v10 =	vand.u32 $0xF, v10;
	v11 =	vand.u32 $0xF, v11;
	v5 =	vor.u32 $0x50, v0  }
0xf: {  	s10 =	sadd.s32 $0x600, s10;
	s11 =	smax.u32 s12, $0x1;
	s12 =	simm.s32 $0x200;
	v6 =	vor.u32 $0x60, v0;
	v8 =	vcombine.low v14, v8;
	v9 =	vand.u32 $0xF, v13  }
.LBB2_20:
0x10: {  	[tilespmem:$0x10020] =	vst v12  }
0x11: {  	[tilespmem:s19], [sflag:$0x3] =	stream.indirect.gather [hbm4b:s1+s17], $0x1, s18, s17, $0xb8;
	[tilespmem:$0x10100] =	vst v63  }
0x12: {  	s22 =	sadd.s32 $0x1, s22;
	_ =	swait.ge [sflag:s20], $0x30  }
0x13: {  	p0 =	sne.s32 s22, s11;
	[sflag:s20] =	ssyncset.done $0x0  }
.Ltmp1:
0x14: {  	[sflag:s20] =	ssyncadd.s32 $0xFFFFFFD0;
	(pc) =	sbr.rel @!p0 .LBB2_21-.Ltmp1, $4  }
0x15: {  	[hbm4b:s10+s3] =	stream.linear.scatter [tilespmem:s19], [sflag:$0x4], $0x30, $0x38;
	[tilespmem:$0x10100] =	vst v63  }
0x16: {  	_ =	swait.ge [sflag:s21], $0x30  }
0x17: {  	[sflag:s21] =	ssyncset.done $0x0  }
0x18: {  	[sflag:s21] =	ssyncadd.s32 $0xFFFFFFD0  }
.LBB2_1:
0x19: {  	[tilespmem:s3], [sflag:$0x1] =	stream.strided.gather [hbm4b:s6+s12], $0x8000, s13, s12, $0x38;
	[tilespmem:$0x10100] =	vst v63  }
0x1a: {  	s23 =	simm.s32 $0x0  }
0x1b: {  	[tilespmem:s14], [sflag:$0x2] =	stream.strided.gather [hbm4b:s7+s12], $0x8000, s13, s12, $0x38;
	[tilespmem:$0x10100] =	vst v63  }
.LBB2_2:
0x1c: {  	_ =	swait.ge [sflag:s15], $0x8000  }
0x1d: {  	[sflag:s15] =	ssyncset.done $0x0  }
0x1e: {  	s24 =	simm.s32 $0x0;
	v13 =	vimm.s32 $0x0;
	s25 =	simm.s32 $0x40;
	v12 =	vimm.s32 $0x0;
	[sflag:s15] =	ssyncadd.s32 $0xFFFF8000  }
.LBB2_3:
0x1f: {  	v15 =	vmov s25;
	_ =	sdelay $0x3  }
0x20: {  	s26 =	simm.s32 $0x0  }
0x21: {  	v18 =	vld.idx.msk [tilespmem:v15+s26+$0x30 ss:$0x1], $0xffff  }
0x22: {  	v21 =	vimm.f32 $+Inf;
	v20 =	vimm.s32 $0x0;
	v14 =	vld.idx.msk [tilespmem:v15+s26+$0xFFFFFFC0 ss:$0x1], $0xffff  }
0x23: {  	v32 =	vimm.s32 $0x0;
	v31 =	vimm.s32 $0x0;
	v27 =	vimm.f32 $+Inf;
	v17 =	vld.idx.msk [tilespmem:v15+s26+$0xFFFFFFD0 ss:$0x1], $0xffff  }
0x24: {  	v24 =	vimm.s32 $0x0;
	v25 =	vimm.f32 $+Inf;
	v28 =	vimm.s32 $0x0;
	v33 =	vld.idx.msk [tilespmem:v15+s26+$0xFFFFFFE0 ss:$0x1], $0xffff  }
0x25: {  	v26 =	vimm.f32 $+Inf;
	v22 =	vimm.s32 $0x0;
	v29 =	vimm.f32 $+Inf;
	v34 =	vld.idx.msk [tilespmem:v15+s26+$0xFFFFFFF0 ss:$0x1], $0xffff  }
0x26: {  	v30 =	vimm.s32 $0x0;
	v23 =	vimm.f32 $+Inf;
	v35 =	vld.idx.msk [tilespmem:v15+s26+$0x0 ss:$0x1], $0xffff;
	vm0 =	vlt.f32 v18, v21  }
0x27: {  	v36 =	vld.idx.msk [tilespmem:v15+s26+$0x10 ss:$0x1], $0xffff;
	vm1 =	vlt.f32 v14, v21;
	v16 =	vmin.f32 v21, v14;
	v14 =	vsel vm0, v13, v13  }
0x28: {  	s28 =	simm.s32 $0x1000;
	v37 =	vld.idx.msk [tilespmem:v15+s26+$0x20 ss:$0x1], $0xffff;
	s26 =	simm.s32 $0x200;
	v19 =	vsel vm1, v13, v13;
	vm0 =	vlt.f32 v17, v21;
	v17 =	vmin.f32 v21, v17  }
.LBB2_4:
0x29: {  	p0 =	sne.s32 s28, $0x1F800;
	v38 =	vld.idx.msk [tilespmem:v15+s26+$0x30 ss:$0x1], $0xffff;
	v32 =	vsel vm0, v20, v32;
	vm0 =	vlt.f32 v33, v21;
	v21 =	vmin.f32 v21, v33  }
0x2a: {  	v39 =	vld.idx.msk [tilespmem:v15+s26+$0xFFFFFFC0 ss:$0x1], $0xffff;
	v31 =	vsel vm0, v20, v31;
	vm0 =	vlt.f32 v34, v27;
	v27 =	vmin.f32 v27, v34  }
0x2b: {  	v40 =	vld.idx.msk [tilespmem:v15+s26+$0xFFFFFFD0 ss:$0x1], $0xffff;
	v24 =	vsel vm0, v20, v24;
	vm0 =	vlt.f32 v35, v25;
	v25 =	vmin.f32 v25, v35  }
0x2c: {  	v33 =	vld.idx.msk [tilespmem:v15+s26+$0xFFFFFFE0 ss:$0x1], $0xffff;
	v28 =	vsel vm0, v20, v28;
	vm0 =	vlt.f32 v36, v26;
	v26 =	vmin.f32 v26, v36  }
.Ltmp2:
0x2d: {  	v34 =	vld.idx.msk [tilespmem:v15+s26+$0xFFFFFFF0 ss:$0x1], $0xffff;
	v22 =	vsel vm0, v20, v22;
	vm0 =	vlt.f32 v37, v29;
	v29 =	vmin.f32 v29, v37;
	(pc) =	sbr.rel @p0 .LBB2_4-.Ltmp2, $4  }
0x2e: {  	v23 =	vmin.f32 v23, v18;
	v35 =	vld.idx.msk [tilespmem:v15+s26+$0x0 ss:$0x1], $0xffff;
	v30 =	vsel vm0, v20, v30  }
0x2f: {  	vm0 =	vlt.f32 v38, v23;
	v20 =	vadd.s32 $0x1, v20;
	v18 =	vmov v38;
	v36 =	vld.idx.msk [tilespmem:v15+s26+$0x10 ss:$0x1], $0xffff  }
0x30: {  	vm1 =	vlt.f32 v39, v16;
	v16 =	vmin.f32 v16, v39;
	v14 =	vsel vm0, v20, v14;
	v37 =	vld.idx.msk [tilespmem:v15+s26+$0x20 ss:$0x1], $0xffff  }
0x31: {  	s26 =	sshra.s32 s28, $0x2;
	s28 =	sadd.s32 $0x800, s28;
	v19 =	vsel vm1, v20, v19;
	vm0 =	vlt.f32 v40, v17;
	v17 =	vmin.f32 v17, v40  }
0x32: {  	_ =	sdelay $0x3  }
0x33: {  	vm1 =	vlt.f32 v33, v21;
	v38 =	vld.idx.msk [tilespmem:v15+s26+$0xFFFFFFC0 ss:$0x1], $0xffff  }
0x34: {  	v32 =	vsel vm0, v20, v32;
	v60 =	vmin.f32 v21, v33;
	v61 =	vld.idx.msk [tilespmem:v15+s26+$0xFFFFFFD0 ss:$0x1], $0xffff;
	vm7 =	vlt.f32 v34, v27  }
0x35: {  	v62 =	vmin.f32 v27, v34;
	v42 =	vadd.s32 $0x1, v20;
	v18 =	vmin.f32 v23, v18  }
0x36: {  	v31 =	vsel vm1, v20, v31;
	vm8 =	vlt.f32 v35, v25;
	v24 =	vsel vm7, v20, v24  }
0x37: {  	v63 =	vmin.f32 v25, v35;
	v28 =	vsel vm8, v20, v28;
	vm9 =	vlt.f32 v36, v26  }
0x38: {  	v40 =	vld.idx.msk [tilespmem:v15+s26+$0xFFFFFFE0 ss:$0x1], $0xffff;
	v39 =	vmin.f32 v26, v36;
	vm10 =	vlt.f32 v37, v29;
	v22 =	vsel vm9, v20, v22  }
0x39: {  	v41 =	vmin.f32 v29, v37;
	vm11 =	vlt.f32 v38, v16;
	vm12 =	vlt.f32 v61, v17  }
0x3a: {  	v30 =	vsel vm10, v20, v30;
	v19 =	vsel vm11, v42, v19;
	v43 =	vsel vm12, v42, v32  }
0x3b: {  	v44 =	vmin.f32 v16, v38;
	v19 =	vshll.u32 v19, $0x7;
	v23 =	vshll.u32 v43, $0x7  }
0x3c: {  	v45 =	vld.idx.msk [tilespmem:v15+s26+$0xFFFFFFF0 ss:$0x1], $0xffff;
	v46 =	vmin.f32 v17, v61;
	v19 =	vor.u32 v0, v19;
	v23 =	vor.u32 v1, v23  }
0x3d: {  	vm13 =	vlt.f32 v40, v60;
	vm14 =	veq.f32 v46, v44;
	vm2 =	vlt.s32 v23, v19  }
0x3e: {  	v31 =	vsel vm13, v42, v31;
	vm15 =	vlt.f32 v46, v44;
	vm1 =	vmand vm14, vm2  }
0x3f: {  	v21 =	vmin.f32 v60, v40;
	v31 =	vshll.u32 v31, $0x7;
	vm0 =	vmor vm15, vm1  }
0x40: {  	v47 =	vld.idx.msk [tilespmem:v15+s26+$0x0 ss:$0x1], $0xffff;
	v49 =	vor.u32 v2, v31;
	v16 =	vsel vm0, v46, v44;
	v48 =	vsel vm0, v23, v19  }
0x41: {  	vm4 =	vlt.f32 v45, v62;
	vm5 =	veq.f32 v21, v16;
	vm6 =	vlt.s32 v49, v48  }
0x42: {  	v50 =	vsel vm4, v42, v24;
	vm7 =	vlt.f32 v21, v16;
	vm1 =	vmand vm5, vm6  }
0x43: {  	v51 =	vmin.f32 v62, v45;
	v23 =	vshll.u32 v50, $0x7;
	vm0 =	vmor vm7, vm1  }
0x44: {  	v52 =	vld.idx.msk [tilespmem:v15+s26+$0x10 ss:$0x1], $0xffff;
	v53 =	vor.u32 v3, v23;
	v16 =	vsel vm0, v21, v16;
	v17 =	vsel vm0, v49, v48  }
0x45: {  	vm8 =	vlt.f32 v47, v63;
	vm9 =	veq.f32 v51, v16;
	vm10 =	vlt.s32 v53, v17  }
0x46: {  	v54 =	vsel vm8, v42, v28;
	vm11 =	vlt.f32 v51, v16;
	vm1 =	vmand vm9, vm10  }
0x47: {  	v55 =	vmin.f32 v63, v47;
	v21 =	vshll.u32 v54, $0x7;
	vm0 =	vmor vm11, vm1  }
0x48: {  	v56 =	vld.idx.msk [tilespmem:v15+s26+$0x20 ss:$0x1], $0xffff;
	v57 =	vor.u32 v4, v21;
	v16 =	vsel vm0, v51, v16;
	v17 =	vsel vm0, v53, v17  }
0x49: {  	vm12 =	vlt.f32 v52, v39;
	vm13 =	veq.f32 v55, v16;
	vm14 =	vlt.s32 v57, v17  }
0x4a: {  	v58 =	vsel vm12, v42, v22;
	vm15 =	vlt.f32 v55, v16;
	vm1 =	vmand vm13, vm14  }
0x4b: {  	v59 =	vmin.f32 v39, v52;
	v21 =	vshll.u32 v58, $0x7;
	vm0 =	vmor vm15, vm1  }
0x4c: {  	v15 =	vld.idx.msk [tilespmem:v15+s26+$0x30 ss:$0x1], $0xffff;
	v60 =	vor.u32 v5, v21;
	v16 =	vsel vm0, v55, v16;
	v17 =	vsel vm0, v57, v17  }
0x4d: {  	vm4 =	vlt.f32 v56, v41;
	vm5 =	veq.f32 v59, v16;
	vm6 =	vlt.s32 v60, v17  }
0x4e: {  	v61 =	vsel vm4, v42, v30;
	vm7 =	vlt.f32 v59, v16;
	vm1 =	vmand vm5, vm6  }
0x4f: {  	v62 =	vmin.f32 v41, v56;
	v21 =	vshll.u32 v61, $0x7;
	vm0 =	vmor vm7, vm1  }
0x50: {  	v63 =	vor.u32 v6, v21;
	v16 =	vsel vm0, v59, v16;
	v17 =	vsel vm0, v60, v17  }
0x51: {  	vm8 =	vlt.f32 v15, v18;
	vm9 =	veq.f32 v62, v16;
	vm10 =	vlt.s32 v63, v17  }
0x52: {  	v14 =	vsel vm8, v42, v14;
	vm11 =	vlt.f32 v62, v16;
	vm1 =	vmand vm9, vm10  }
0x53: {  	v15 =	vmin.f32 v18, v15;
	v14 =	vshll.u32 v14, $0x7;
	vm0 =	vmor vm11, vm1  }
0x54: {  	v14 =	vor.u32 v7, v14;
	v16 =	vsel vm0, v62, v16;
	v17 =	vsel vm0, v63, v17  }
0x55: {  	vm12 =	veq.f32 v15, v16;
	vm13 =	vlt.s32 v14, v17  }
0x56: {  	vm14 =	vlt.f32 v15, v16;
	vm0 =	vmand vm12, vm13  }
0x57: {  	vm0 =	vmor vm14, vm0  }
0x58: {  	v15 =	vsel vm0, v15, v16;
	v14 =	vsel vm0, v14, v17  }
0x59: {  	v16 =	vperm.xlane v15, v8;
	v17 =	vperm.xlane v14, v8;
	_ =	sdelay $0x1  }
0x5a: {  	vm15 =	veq.f32 v16, v15;
	vm4 =	vlt.s32 v17, v14  }
0x5b: {  	vm5 =	vlt.f32 v16, v15;
	vm0 =	vmand vm15, vm4  }
0x5c: {  	vm0 =	vmor vm5, vm0  }
0x5d: {  	v15 =	vsel vm0, v16, v15;
	v14 =	vsel vm0, v17, v14  }
0x5e: {  	v16 =	vperm.xlane v15, v9;
	v17 =	vperm.xlane v14, v9;
	_ =	sdelay $0x1  }
0x5f: {  	vm6 =	veq.f32 v16, v15;
	vm7 =	vlt.s32 v17, v14  }
0x60: {  	vm8 =	vlt.f32 v16, v15;
	vm0 =	vmand vm6, vm7  }
0x61: {  	vm0 =	vmor vm8, vm0  }
0x62: {  	v15 =	vsel vm0, v16, v15;
	v14 =	vsel vm0, v17, v14  }
0x63: {  	v16 =	vperm.xlane v15, v10;
	v17 =	vperm.xlane v14, v10;
	_ =	sdelay $0x1  }
0x64: {  	vm9 =	veq.f32 v16, v15;
	vm10 =	vlt.s32 v17, v14  }
0x65: {  	vm11 =	vlt.f32 v16, v15;
	vm0 =	vmand vm9, vm10  }
0x66: {  	vm0 =	vmor vm11, vm0  }
0x67: {  	v15 =	vsel vm0, v16, v15  }
0x68: {  	v14 =	vsel vm0, v17, v14;
	v16 =	vperm.xlane v15, v11  }
0x69: {  	v17 =	vperm.xlane v14, v11  }
0x6a: {  	vm12 =	veq.f32 v16, v15;
	vm14 =	vlt.f32 v16, v15;
	v15 =	vmov s24;
	s24 =	sadd.s32 $0x1, s24  }
0x6b: {  	p0 =	sne.s32 s24, $0x4  }
.Ltmp3:
0x6c: {  	vm13 =	vlt.s32 v17, v14;
	(pc) =	sbr.rel @p0 .LBB2_3-.Ltmp3, $4  }
0x6d: {  	vm0 =	vmand vm12, vm13  }
0x6e: {  	vm0 =	vmor vm14, vm0  }
0x6f: {  	vm15 =	veq.s32 v15, v0;
	v14 =	vsel vm0, v17, v14  }
0x70: {  	s25 =	sadd.s32 $0x80, s25;
	v12 =	vsel vm15, v14, v12  }
0x71: {  	s24 =	sshll.u32 s23, $0x11  }
0x72: {  	s25 =	sadd.s32 s24, s8  }
0x73: {  	s25 =	sshrl.u32 s25, $0x3  }
0x74: {  	s26 =	simm.s32 $0x0;
	s28 =	sadd.s32 s0, s25  }
0x75: {  	[tilespmem:s26], [sflag:$0x1] =	stream.strided.gather [hbm4b:s28+s12], $0x8000, s13, s12, $0x38;
	[tilespmem:$0x10100] =	vst v63  }
0x76: {  	_ =	swait.ge [sflag:s16], $0x8000  }
0x77: {  	[sflag:s16] =	ssyncset.done $0x0  }
0x78: {  	s28 =	simm.s32 $0x8040;
	[sflag:s16] =	ssyncadd.s32 $0xFFFF8000  }
.LBB2_7:
0x79: {  	v14 =	vmov s28;
	_ =	sdelay $0x3  }
0x7a: {  	s29 =	simm.s32 $0x0  }
0x7b: {  	v16 =	vld.idx.msk [tilespmem:v14+s29+$0x30 ss:$0x1], $0xffff  }
0x7c: {  	v20 =	vimm.f32 $+Inf;
	v18 =	vimm.s32 $0x0;
	v13 =	vld.idx.msk [tilespmem:v14+s29+$0xFFFFFFC0 ss:$0x1], $0xffff  }
0x7d: {  	v31 =	vimm.s32 $0x0;
	v30 =	vimm.s32 $0x0;
	v26 =	vimm.f32 $+Inf;
	v17 =	vld.idx.msk [tilespmem:v14+s29+$0xFFFFFFD0 ss:$0x1], $0xffff  }
0x7e: {  	v23 =	vimm.s32 $0x0;
	v24 =	vimm.f32 $+Inf;
	v27 =	vimm.s32 $0x0;
	v32 =	vld.idx.msk [tilespmem:v14+s29+$0xFFFFFFE0 ss:$0x1], $0xffff  }
0x7f: {  	v25 =	vimm.f32 $+Inf;
	v21 =	vimm.s32 $0x0;
	v28 =	vimm.f32 $+Inf;
	v33 =	vld.idx.msk [tilespmem:v14+s29+$0xFFFFFFF0 ss:$0x1], $0xffff  }
0x80: {  	v29 =	vimm.s32 $0x0;
	v22 =	vimm.f32 $+Inf;
	v34 =	vld.idx.msk [tilespmem:v14+s29+$0x0 ss:$0x1], $0xffff;
	vm0 =	vlt.f32 v16, v20  }
0x81: {  	v35 =	vld.idx.msk [tilespmem:v14+s29+$0x10 ss:$0x1], $0xffff;
	vm1 =	vlt.f32 v13, v20;
	v15 =	vmin.f32 v20, v13;
	v13 =	vsel vm0, v18, v18  }
0x82: {  	s30 =	simm.s32 $0x1000;
	v36 =	vld.idx.msk [tilespmem:v14+s29+$0x20 ss:$0x1], $0xffff;
	s29 =	simm.s32 $0x200;
	v19 =	vsel vm1, v18, v18;
	vm0 =	vlt.f32 v17, v20;
	v17 =	vmin.f32 v20, v17  }
.LBB2_8:
0x83: {  	p0 =	sne.s32 s30, $0x1F800;
	v37 =	vld.idx.msk [tilespmem:v14+s29+$0x30 ss:$0x1], $0xffff;
	v31 =	vsel vm0, v18, v31;
	vm0 =	vlt.f32 v32, v20;
	v20 =	vmin.f32 v20, v32  }
0x84: {  	v38 =	vld.idx.msk [tilespmem:v14+s29+$0xFFFFFFC0 ss:$0x1], $0xffff;
	v30 =	vsel vm0, v18, v30;
	vm0 =	vlt.f32 v33, v26;
	v26 =	vmin.f32 v26, v33  }
0x85: {  	v39 =	vld.idx.msk [tilespmem:v14+s29+$0xFFFFFFD0 ss:$0x1], $0xffff;
	v23 =	vsel vm0, v18, v23;
	vm0 =	vlt.f32 v34, v24;
	v24 =	vmin.f32 v24, v34  }
0x86: {  	v32 =	vld.idx.msk [tilespmem:v14+s29+$0xFFFFFFE0 ss:$0x1], $0xffff;
	v27 =	vsel vm0, v18, v27;
	vm0 =	vlt.f32 v35, v25;
	v25 =	vmin.f32 v25, v35  }
.Ltmp4:
0x87: {  	v33 =	vld.idx.msk [tilespmem:v14+s29+$0xFFFFFFF0 ss:$0x1], $0xffff;
	v21 =	vsel vm0, v18, v21;
	vm0 =	vlt.f32 v36, v28;
	v28 =	vmin.f32 v28, v36;
	(pc) =	sbr.rel @p0 .LBB2_8-.Ltmp4, $4  }
0x88: {  	v22 =	vmin.f32 v22, v16;
	v34 =	vld.idx.msk [tilespmem:v14+s29+$0x0 ss:$0x1], $0xffff;
	v29 =	vsel vm0, v18, v29  }
0x89: {  	vm0 =	vlt.f32 v37, v22;
	v18 =	vadd.s32 $0x1, v18;
	v16 =	vmov v37;
	v35 =	vld.idx.msk [tilespmem:v14+s29+$0x10 ss:$0x1], $0xffff  }
0x8a: {  	vm1 =	vlt.f32 v38, v15;
	v15 =	vmin.f32 v15, v38;
	v13 =	vsel vm0, v18, v13;
	v36 =	vld.idx.msk [tilespmem:v14+s29+$0x20 ss:$0x1], $0xffff  }
0x8b: {  	s29 =	sshra.s32 s30, $0x2;
	s30 =	sadd.s32 $0x800, s30;
	v19 =	vsel vm1, v18, v19;
	vm0 =	vlt.f32 v39, v17;
	v17 =	vmin.f32 v17, v39  }
0x8c: {  	_ =	sdelay $0x3  }
0x8d: {  	vm1 =	vlt.f32 v32, v20;
	v37 =	vld.idx.msk [tilespmem:v14+s29+$0xFFFFFFC0 ss:$0x1], $0xffff  }
0x8e: {  	v31 =	vsel vm0, v18, v31;
	v61 =	vmin.f32 v20, v32;
	v62 =	vld.idx.msk [tilespmem:v14+s29+$0xFFFFFFD0 ss:$0x1], $0xffff;
	vm7 =	vlt.f32 v33, v26  }
0x8f: {  	v63 =	vmin.f32 v26, v33;
	v42 =	vadd.s32 $0x1, v18;
	v16 =	vmin.f32 v22, v16  }
0x90: {  	v30 =	vsel vm1, v18, v30;
	vm8 =	vlt.f32 v34, v24;
	v23 =	vsel vm7, v18, v23  }
0x91: {  	v38 =	vmin.f32 v24, v34;
	v27 =	vsel vm8, v18, v27;
	vm9 =	vlt.f32 v35, v25  }
0x92: {  	v40 =	vld.idx.msk [tilespmem:v14+s29+$0xFFFFFFE0 ss:$0x1], $0xffff;
	v39 =	vmin.f32 v25, v35;
	vm10 =	vlt.f32 v36, v28;
	v21 =	vsel vm9, v18, v21  }
0x93: {  	v41 =	vmin.f32 v28, v36;
	vm11 =	vlt.f32 v37, v15;
	vm12 =	vlt.f32 v62, v17  }
0x94: {  	v29 =	vsel vm10, v18, v29;
	v19 =	vsel vm11, v42, v19;
	v43 =	vsel vm12, v42, v31  }
0x95: {  	v15 =	vmin.f32 v15, v37;
	v19 =	vshll.u32 v19, $0x7;
	v22 =	vshll.u32 v43, $0x7  }
0x96: {  	v44 =	vld.idx.msk [tilespmem:v14+s29+$0xFFFFFFF0 ss:$0x1], $0xffff;
	v45 =	vmin.f32 v17, v62;
	v19 =	vor.u32 v0, v19;
	v22 =	vor.u32 v1, v22  }
0x97: {  	vm13 =	vlt.f32 v40, v61;
	vm14 =	veq.f32 v45, v15;
	vm2 =	vlt.s32 v22, v19  }
0x98: {  	v30 =	vsel vm13, v42, v30;
	vm15 =	vlt.f32 v45, v15;
	vm1 =	vmand vm14, vm2  }
0x99: {  	v20 =	vmin.f32 v61, v40;
	v30 =	vshll.u32 v30, $0x7;
	vm0 =	vmor vm15, vm1  }
0x9a: {  	v46 =	vld.idx.msk [tilespmem:v14+s29+$0x0 ss:$0x1], $0xffff;
	v48 =	vor.u32 v2, v30;
	v15 =	vsel vm0, v45, v15;
	v47 =	vsel vm0, v22, v19  }
0x9b: {  	vm4 =	vlt.f32 v44, v63;
	vm5 =	veq.f32 v20, v15;
	vm6 =	vlt.s32 v48, v47  }
0x9c: {  	v49 =	vsel vm4, v42, v23;
	vm7 =	vlt.f32 v20, v15;
	vm1 =	vmand vm5, vm6  }
0x9d: {  	v50 =	vmin.f32 v63, v44;
	v22 =	vshll.u32 v49, $0x7;
	vm0 =	vmor vm7, vm1  }
0x9e: {  	v51 =	vld.idx.msk [tilespmem:v14+s29+$0x10 ss:$0x1], $0xffff;
	v52 =	vor.u32 v3, v22;
	v15 =	vsel vm0, v20, v15;
	v17 =	vsel vm0, v48, v47  }
0x9f: {  	vm8 =	vlt.f32 v46, v38;
	vm9 =	veq.f32 v50, v15;
	vm10 =	vlt.s32 v52, v17  }
0xa0: {  	v53 =	vsel vm8, v42, v27;
	vm11 =	vlt.f32 v50, v15;
	vm1 =	vmand vm9, vm10  }
0xa1: {  	v54 =	vmin.f32 v38, v46;
	v20 =	vshll.u32 v53, $0x7;
	vm0 =	vmor vm11, vm1  }
0xa2: {  	v55 =	vld.idx.msk [tilespmem:v14+s29+$0x20 ss:$0x1], $0xffff;
	v56 =	vor.u32 v4, v20;
	v15 =	vsel vm0, v50, v15;
	v17 =	vsel vm0, v52, v17  }
0xa3: {  	vm12 =	vlt.f32 v51, v39;
	vm13 =	veq.f32 v54, v15;
	vm14 =	vlt.s32 v56, v17  }
0xa4: {  	v57 =	vsel vm12, v42, v21;
	vm15 =	vlt.f32 v54, v15;
	vm1 =	vmand vm13, vm14  }
0xa5: {  	v58 =	vmin.f32 v39, v51;
	v20 =	vshll.u32 v57, $0x7;
	vm0 =	vmor vm15, vm1  }
0xa6: {  	v14 =	vld.idx.msk [tilespmem:v14+s29+$0x30 ss:$0x1], $0xffff;
	v59 =	vor.u32 v5, v20;
	v15 =	vsel vm0, v54, v15;
	v17 =	vsel vm0, v56, v17  }
0xa7: {  	vm4 =	vlt.f32 v55, v41;
	vm5 =	veq.f32 v58, v15;
	vm6 =	vlt.s32 v59, v17  }
0xa8: {  	v60 =	vsel vm4, v42, v29;
	vm7 =	vlt.f32 v58, v15;
	vm1 =	vmand vm5, vm6  }
0xa9: {  	v61 =	vmin.f32 v41, v55;
	v20 =	vshll.u32 v60, $0x7;
	vm0 =	vmor vm7, vm1  }
0xaa: {  	v62 =	vor.u32 v6, v20;
	v15 =	vsel vm0, v58, v15;
	v17 =	vsel vm0, v59, v17  }
0xab: {  	vm8 =	vlt.f32 v14, v16;
	vm9 =	veq.f32 v61, v15;
	vm10 =	vlt.s32 v62, v17  }
0xac: {  	v13 =	vsel vm8, v42, v13;
	vm11 =	vlt.f32 v61, v15;
	vm1 =	vmand vm9, vm10  }
0xad: {  	v14 =	vmin.f32 v16, v14;
	v13 =	vshll.u32 v13, $0x7;
	vm0 =	vmor vm11, vm1  }
0xae: {  	v13 =	vor.u32 v7, v13;
	v15 =	vsel vm0, v61, v15;
	v63 =	vsel vm0, v62, v17  }
0xaf: {  	vm12 =	veq.f32 v14, v15;
	vm13 =	vlt.s32 v13, v63  }
0xb0: {  	vm14 =	vlt.f32 v14, v15;
	vm0 =	vmand vm12, vm13  }
0xb1: {  	vm0 =	vmor vm14, vm0  }
0xb2: {  	v14 =	vsel vm0, v14, v15;
	v13 =	vsel vm0, v13, v63  }
0xb3: {  	v15 =	vperm.xlane v14, v8;
	v16 =	vperm.xlane v13, v8;
	_ =	sdelay $0x1  }
0xb4: {  	vm15 =	veq.f32 v15, v14;
	vm4 =	vlt.s32 v16, v13  }
0xb5: {  	vm5 =	vlt.f32 v15, v14;
	vm0 =	vmand vm15, vm4  }
0xb6: {  	vm0 =	vmor vm5, vm0  }
0xb7: {  	v14 =	vsel vm0, v15, v14;
	v13 =	vsel vm0, v16, v13  }
0xb8: {  	v15 =	vperm.xlane v14, v9;
	v16 =	vperm.xlane v13, v9;
	_ =	sdelay $0x1  }
0xb9: {  	vm6 =	veq.f32 v15, v14;
	vm7 =	vlt.s32 v16, v13  }
0xba: {  	vm8 =	vlt.f32 v15, v14;
	vm0 =	vmand vm6, vm7  }
0xbb: {  	vm0 =	vmor vm8, vm0  }
0xbc: {  	v14 =	vsel vm0, v15, v14;
	v13 =	vsel vm0, v16, v13  }
0xbd: {  	v15 =	vperm.xlane v14, v10;
	v16 =	vperm.xlane v13, v10;
	_ =	sdelay $0x1  }
0xbe: {  	vm9 =	veq.f32 v15, v14;
	vm10 =	vlt.s32 v16, v13  }
0xbf: {  	vm11 =	vlt.f32 v15, v14;
	vm0 =	vmand vm9, vm10  }
0xc0: {  	vm0 =	vmor vm11, vm0  }
0xc1: {  	v14 =	vsel vm0, v15, v14;
	v13 =	vsel vm0, v16, v13  }
0xc2: {  	s31 =	sor.u32 $0x4, s26;
	s26 =	sadd.s32 $0x1, s26;
	v15 =	vperm.xlane v14, v11;
	v16 =	vperm.xlane v13, v11  }
0xc3: {  	p0 =	sne.s32 s26, $0x4  }
.Ltmp5:
0xc4: {  	vm12 =	veq.f32 v15, v14;
	vm13 =	vlt.s32 v16, v13;
	(pc) =	sbr.rel @p0 .LBB2_7-.Ltmp5, $4  }
0xc5: {  	vm14 =	vlt.f32 v15, v14;
	vm0 =	vmand vm12, vm13  }
0xc6: {  	v14 =	vmov s31;
	vm0 =	vmor vm14, vm0  }
0xc7: {  	vm15 =	veq.s32 v14, v0;
	v13 =	vsel vm0, v16, v13  }
0xc8: {  	s28 =	sadd.s32 $0x80, s28;
	v12 =	vsel vm15, v13, v12  }
0xc9: {  	s25 =	sadd.s32 s25, s5  }
0xca: {  	[tilespmem:s14], [sflag:$0x2] =	stream.strided.gather [hbm4b:s25+s12], $0x8000, s13, s12, $0x38;
	[tilespmem:$0x10100] =	vst v63  }
0xcb: {  	_ =	swait.ge [sflag:s15], $0x8000  }
0xcc: {  	[sflag:s15] =	ssyncset.done $0x0  }
0xcd: {  	s26 =	simm.s32 $0x40;
	s25 =	simm.s32 $0x0;
	[sflag:s15] =	ssyncadd.s32 $0xFFFF8000  }
.LBB2_11:
0xce: {  	v14 =	vmov s26;
	_ =	sdelay $0x3  }
0xcf: {  	s28 =	simm.s32 $0x0  }
0xd0: {  	v16 =	vld.idx.msk [tilespmem:v14+s28+$0x30 ss:$0x1], $0xffff  }
0xd1: {  	v20 =	vimm.f32 $+Inf;
	v18 =	vimm.s32 $0x0;
	v13 =	vld.idx.msk [tilespmem:v14+s28+$0xFFFFFFC0 ss:$0x1], $0xffff  }
0xd2: {  	v31 =	vimm.s32 $0x0;
	v30 =	vimm.s32 $0x0;
	v26 =	vimm.f32 $+Inf;
	v17 =	vld.idx.msk [tilespmem:v14+s28+$0xFFFFFFD0 ss:$0x1], $0xffff  }
0xd3: {  	v23 =	vimm.s32 $0x0;
	v24 =	vimm.f32 $+Inf;
	v27 =	vimm.s32 $0x0;
	v32 =	vld.idx.msk [tilespmem:v14+s28+$0xFFFFFFE0 ss:$0x1], $0xffff  }
0xd4: {  	v25 =	vimm.f32 $+Inf;
	v21 =	vimm.s32 $0x0;
	v28 =	vimm.f32 $+Inf;
	v33 =	vld.idx.msk [tilespmem:v14+s28+$0xFFFFFFF0 ss:$0x1], $0xffff  }
0xd5: {  	v29 =	vimm.s32 $0x0;
	v22 =	vimm.f32 $+Inf;
	v34 =	vld.idx.msk [tilespmem:v14+s28+$0x0 ss:$0x1], $0xffff;
	vm0 =	vlt.f32 v16, v20  }
0xd6: {  	v35 =	vld.idx.msk [tilespmem:v14+s28+$0x10 ss:$0x1], $0xffff;
	vm1 =	vlt.f32 v13, v20;
	v15 =	vmin.f32 v20, v13;
	v13 =	vsel vm0, v18, v18  }
0xd7: {  	s29 =	simm.s32 $0x1000;
	v36 =	vld.idx.msk [tilespmem:v14+s28+$0x20 ss:$0x1], $0xffff;
	s28 =	simm.s32 $0x200;
	v19 =	vsel vm1, v18, v18;
	vm0 =	vlt.f32 v17, v20;
	v17 =	vmin.f32 v20, v17  }
.LBB2_12:
0xd8: {  	p0 =	sne.s32 s29, $0x1F800;
	v37 =	vld.idx.msk [tilespmem:v14+s28+$0x30 ss:$0x1], $0xffff;
	v31 =	vsel vm0, v18, v31;
	vm0 =	vlt.f32 v32, v20;
	v20 =	vmin.f32 v20, v32  }
0xd9: {  	v38 =	vld.idx.msk [tilespmem:v14+s28+$0xFFFFFFC0 ss:$0x1], $0xffff;
	v30 =	vsel vm0, v18, v30;
	vm0 =	vlt.f32 v33, v26;
	v26 =	vmin.f32 v26, v33  }
0xda: {  	v39 =	vld.idx.msk [tilespmem:v14+s28+$0xFFFFFFD0 ss:$0x1], $0xffff;
	v23 =	vsel vm0, v18, v23;
	vm0 =	vlt.f32 v34, v24;
	v24 =	vmin.f32 v24, v34  }
0xdb: {  	v32 =	vld.idx.msk [tilespmem:v14+s28+$0xFFFFFFE0 ss:$0x1], $0xffff;
	v27 =	vsel vm0, v18, v27;
	vm0 =	vlt.f32 v35, v25;
	v25 =	vmin.f32 v25, v35  }
.Ltmp6:
0xdc: {  	v33 =	vld.idx.msk [tilespmem:v14+s28+$0xFFFFFFF0 ss:$0x1], $0xffff;
	v21 =	vsel vm0, v18, v21;
	vm0 =	vlt.f32 v36, v28;
	v28 =	vmin.f32 v28, v36;
	(pc) =	sbr.rel @p0 .LBB2_12-.Ltmp6, $4  }
0xdd: {  	v22 =	vmin.f32 v22, v16;
	v34 =	vld.idx.msk [tilespmem:v14+s28+$0x0 ss:$0x1], $0xffff;
	v29 =	vsel vm0, v18, v29  }
0xde: {  	vm0 =	vlt.f32 v37, v22;
	v18 =	vadd.s32 $0x1, v18;
	v16 =	vmov v37;
	v35 =	vld.idx.msk [tilespmem:v14+s28+$0x10 ss:$0x1], $0xffff  }
0xdf: {  	vm1 =	vlt.f32 v38, v15;
	v15 =	vmin.f32 v15, v38;
	v13 =	vsel vm0, v18, v13;
	v36 =	vld.idx.msk [tilespmem:v14+s28+$0x20 ss:$0x1], $0xffff  }
0xe0: {  	s28 =	sshra.s32 s29, $0x2;
	s29 =	sadd.s32 $0x800, s29;
	v19 =	vsel vm1, v18, v19;
	vm0 =	vlt.f32 v39, v17;
	v17 =	vmin.f32 v17, v39  }
0xe1: {  	_ =	sdelay $0x3  }
0xe2: {  	vm1 =	vlt.f32 v32, v20;
	v37 =	vld.idx.msk [tilespmem:v14+s28+$0xFFFFFFC0 ss:$0x1], $0xffff  }
0xe3: {  	v31 =	vsel vm0, v18, v31;
	v61 =	vmin.f32 v20, v32;
	v62 =	vld.idx.msk [tilespmem:v14+s28+$0xFFFFFFD0 ss:$0x1], $0xffff;
	vm7 =	vlt.f32 v33, v26  }
0xe4: {  	v63 =	vmin.f32 v26, v33;
	v42 =	vadd.s32 $0x1, v18;
	v16 =	vmin.f32 v22, v16  }
0xe5: {  	v30 =	vsel vm1, v18, v30;
	vm8 =	vlt.f32 v34, v24;
	v23 =	vsel vm7, v18, v23  }
0xe6: {  	v38 =	vmin.f32 v24, v34;
	v27 =	vsel vm8, v18, v27;
	vm9 =	vlt.f32 v35, v25  }
0xe7: {  	v40 =	vld.idx.msk [tilespmem:v14+s28+$0xFFFFFFE0 ss:$0x1], $0xffff;
	v39 =	vmin.f32 v25, v35;
	vm10 =	vlt.f32 v36, v28;
	v21 =	vsel vm9, v18, v21  }
0xe8: {  	v41 =	vmin.f32 v28, v36;
	vm11 =	vlt.f32 v37, v15;
	vm12 =	vlt.f32 v62, v17  }
0xe9: {  	v29 =	vsel vm10, v18, v29;
	v19 =	vsel vm11, v42, v19;
	v43 =	vsel vm12, v42, v31  }
0xea: {  	v15 =	vmin.f32 v15, v37;
	v19 =	vshll.u32 v19, $0x7;
	v22 =	vshll.u32 v43, $0x7  }
0xeb: {  	v44 =	vld.idx.msk [tilespmem:v14+s28+$0xFFFFFFF0 ss:$0x1], $0xffff;
	v45 =	vmin.f32 v17, v62;
	v19 =	vor.u32 v0, v19;
	v22 =	vor.u32 v1, v22  }
0xec: {  	vm13 =	vlt.f32 v40, v61;
	vm14 =	veq.f32 v45, v15;
	vm2 =	vlt.s32 v22, v19  }
0xed: {  	v30 =	vsel vm13, v42, v30;
	vm15 =	vlt.f32 v45, v15;
	vm1 =	vmand vm14, vm2  }
0xee: {  	v20 =	vmin.f32 v61, v40;
	v30 =	vshll.u32 v30, $0x7;
	vm0 =	vmor vm15, vm1  }
0xef: {  	v46 =	vld.idx.msk [tilespmem:v14+s28+$0x0 ss:$0x1], $0xffff;
	v48 =	vor.u32 v2, v30;
	v15 =	vsel vm0, v45, v15;
	v47 =	vsel vm0, v22, v19  }
0xf0: {  	vm4 =	vlt.f32 v44, v63;
	vm5 =	veq.f32 v20, v15;
	vm6 =	vlt.s32 v48, v47  }
0xf1: {  	v49 =	vsel vm4, v42, v23;
	vm7 =	vlt.f32 v20, v15;
	vm1 =	vmand vm5, vm6  }
0xf2: {  	v50 =	vmin.f32 v63, v44;
	v22 =	vshll.u32 v49, $0x7;
	vm0 =	vmor vm7, vm1  }
0xf3: {  	v51 =	vld.idx.msk [tilespmem:v14+s28+$0x10 ss:$0x1], $0xffff;
	v52 =	vor.u32 v3, v22;
	v15 =	vsel vm0, v20, v15;
	v17 =	vsel vm0, v48, v47  }
0xf4: {  	vm8 =	vlt.f32 v46, v38;
	vm9 =	veq.f32 v50, v15;
	vm10 =	vlt.s32 v52, v17  }
0xf5: {  	v53 =	vsel vm8, v42, v27;
	vm11 =	vlt.f32 v50, v15;
	vm1 =	vmand vm9, vm10  }
0xf6: {  	v54 =	vmin.f32 v38, v46;
	v20 =	vshll.u32 v53, $0x7;
	vm0 =	vmor vm11, vm1  }
0xf7: {  	v55 =	vld.idx.msk [tilespmem:v14+s28+$0x20 ss:$0x1], $0xffff;
	v56 =	vor.u32 v4, v20;
	v15 =	vsel vm0, v50, v15;
	v17 =	vsel vm0, v52, v17  }
0xf8: {  	vm12 =	vlt.f32 v51, v39;
	vm13 =	veq.f32 v54, v15;
	vm14 =	vlt.s32 v56, v17  }
0xf9: {  	v57 =	vsel vm12, v42, v21;
	vm15 =	vlt.f32 v54, v15;
	vm1 =	vmand vm13, vm14  }
0xfa: {  	v58 =	vmin.f32 v39, v51;
	v20 =	vshll.u32 v57, $0x7;
	vm0 =	vmor vm15, vm1  }
0xfb: {  	v14 =	vld.idx.msk [tilespmem:v14+s28+$0x30 ss:$0x1], $0xffff;
	v59 =	vor.u32 v5, v20;
	v15 =	vsel vm0, v54, v15;
	v17 =	vsel vm0, v56, v17  }
0xfc: {  	vm4 =	vlt.f32 v55, v41;
	vm5 =	veq.f32 v58, v15;
	vm6 =	vlt.s32 v59, v17  }
0xfd: {  	v60 =	vsel vm4, v42, v29;
	vm7 =	vlt.f32 v58, v15;
	vm1 =	vmand vm5, vm6  }
0xfe: {  	v61 =	vmin.f32 v41, v55;
	v20 =	vshll.u32 v60, $0x7;
	vm0 =	vmor vm7, vm1  }
0xff: {  	v62 =	vor.u32 v6, v20;
	v15 =	vsel vm0, v58, v15;
	v17 =	vsel vm0, v59, v17  }
0x100: {  	vm8 =	vlt.f32 v14, v16;
	vm9 =	veq.f32 v61, v15;
	vm10 =	vlt.s32 v62, v17  }
0x101: {  	v13 =	vsel vm8, v42, v13;
	vm11 =	vlt.f32 v61, v15;
	vm1 =	vmand vm9, vm10  }
0x102: {  	v14 =	vmin.f32 v16, v14;
	v13 =	vshll.u32 v13, $0x7;
	vm0 =	vmor vm11, vm1  }
0x103: {  	v13 =	vor.u32 v7, v13;
	v15 =	vsel vm0, v61, v15;
	v63 =	vsel vm0, v62, v17  }
0x104: {  	vm12 =	veq.f32 v14, v15;
	vm13 =	vlt.s32 v13, v63  }
0x105: {  	vm14 =	vlt.f32 v14, v15;
	vm0 =	vmand vm12, vm13  }
0x106: {  	vm0 =	vmor vm14, vm0  }
0x107: {  	v14 =	vsel vm0, v14, v15;
	v13 =	vsel vm0, v13, v63  }
0x108: {  	v15 =	vperm.xlane v14, v8;
	v16 =	vperm.xlane v13, v8;
	_ =	sdelay $0x1  }
0x109: {  	vm15 =	veq.f32 v15, v14;
	vm4 =	vlt.s32 v16, v13  }
0x10a: {  	vm5 =	vlt.f32 v15, v14;
	vm0 =	vmand vm15, vm4  }
0x10b: {  	vm0 =	vmor vm5, vm0  }
0x10c: {  	v14 =	vsel vm0, v15, v14;
	v13 =	vsel vm0, v16, v13  }
0x10d: {  	v15 =	vperm.xlane v14, v9;
	v16 =	vperm.xlane v13, v9;
	_ =	sdelay $0x1  }
0x10e: {  	vm6 =	veq.f32 v15, v14;
	vm7 =	vlt.s32 v16, v13  }
0x10f: {  	vm8 =	vlt.f32 v15, v14;
	vm0 =	vmand vm6, vm7  }
0x110: {  	vm0 =	vmor vm8, vm0  }
0x111: {  	v14 =	vsel vm0, v15, v14;
	v13 =	vsel vm0, v16, v13  }
0x112: {  	v15 =	vperm.xlane v14, v10;
	v16 =	vperm.xlane v13, v10;
	_ =	sdelay $0x1  }
0x113: {  	vm9 =	veq.f32 v15, v14;
	vm10 =	vlt.s32 v16, v13  }
0x114: {  	vm11 =	vlt.f32 v15, v14;
	vm0 =	vmand vm9, vm10  }
0x115: {  	vm0 =	vmor vm11, vm0  }
0x116: {  	v14 =	vsel vm0, v15, v14;
	v13 =	vsel vm0, v16, v13  }
0x117: {  	s31 =	sor.u32 $0x8, s25;
	s25 =	sadd.s32 $0x1, s25;
	v15 =	vperm.xlane v14, v11;
	v16 =	vperm.xlane v13, v11  }
0x118: {  	p0 =	sne.s32 s25, $0x4  }
.Ltmp7:
0x119: {  	vm12 =	veq.f32 v15, v14;
	vm13 =	vlt.s32 v16, v13;
	(pc) =	sbr.rel @p0 .LBB2_11-.Ltmp7, $4  }
0x11a: {  	vm14 =	vlt.f32 v15, v14;
	vm0 =	vmand vm12, vm13  }
0x11b: {  	v14 =	vmov s31;
	vm0 =	vmor vm14, vm0  }
0x11c: {  	vm15 =	veq.s32 v14, v0;
	v13 =	vsel vm0, v16, v13  }
0x11d: {  	s26 =	sadd.s32 $0x80, s26;
	v12 =	vsel vm15, v13, v12  }
0x11e: {  	p0 =	seq.s32 s23, $0x2  }
0x11f: {  	s25 =	sadd.s32 @!p0 s24, s9  }
0x120: {  	s26 =	simm.s32 @!p0 $0x200;
	s25 =	sshrl.u32 @!p0 s25, $0x3  }
0x121: {  	s28 =	simm.s32 @!p0 $0x400;
	s29 =	simm.s32 @!p0 $0x0;
	s25 =	sadd.s32 @!p0 s0, s25  }
0x122: {  	[tilespmem:s29], [sflag:$0x1] =	stream.strided.gather @!p0 [hbm4b:s25+s26], $0x8000, s28, s26, $0x38;
	[tilespmem:$0x10100] =	vst v63  }
0x123: {  	_ =	swait.ge [sflag:s16], $0x8000  }
0x124: {  	[sflag:s16] =	ssyncset.done $0x0  }
0x125: {  	s25 =	simm.s32 $0x0;
	s26 =	simm.s32 $0x8040;
	[sflag:s16] =	ssyncadd.s32 $0xFFFF8000  }
.LBB2_15:
0x126: {  	v14 =	vmov s26;
	_ =	sdelay $0x3  }
0x127: {  	s28 =	simm.s32 $0x0  }
0x128: {  	v16 =	vld.idx.msk [tilespmem:v14+s28+$0x30 ss:$0x1], $0xffff  }
0x129: {  	v20 =	vimm.f32 $+Inf;
	v18 =	vimm.s32 $0x0;
	v13 =	vld.idx.msk [tilespmem:v14+s28+$0xFFFFFFC0 ss:$0x1], $0xffff  }
0x12a: {  	v31 =	vimm.s32 $0x0;
	v30 =	vimm.s32 $0x0;
	v26 =	vimm.f32 $+Inf;
	v17 =	vld.idx.msk [tilespmem:v14+s28+$0xFFFFFFD0 ss:$0x1], $0xffff  }
0x12b: {  	v23 =	vimm.s32 $0x0;
	v24 =	vimm.f32 $+Inf;
	v27 =	vimm.s32 $0x0;
	v32 =	vld.idx.msk [tilespmem:v14+s28+$0xFFFFFFE0 ss:$0x1], $0xffff  }
0x12c: {  	v25 =	vimm.f32 $+Inf;
	v21 =	vimm.s32 $0x0;
	v28 =	vimm.f32 $+Inf;
	v33 =	vld.idx.msk [tilespmem:v14+s28+$0xFFFFFFF0 ss:$0x1], $0xffff  }
0x12d: {  	v29 =	vimm.s32 $0x0;
	v22 =	vimm.f32 $+Inf;
	v34 =	vld.idx.msk [tilespmem:v14+s28+$0x0 ss:$0x1], $0xffff;
	vm0 =	vlt.f32 v16, v20  }
0x12e: {  	v35 =	vld.idx.msk [tilespmem:v14+s28+$0x10 ss:$0x1], $0xffff;
	vm1 =	vlt.f32 v13, v20;
	v15 =	vmin.f32 v20, v13;
	v13 =	vsel vm0, v18, v18  }
0x12f: {  	s29 =	simm.s32 $0x1000;
	v36 =	vld.idx.msk [tilespmem:v14+s28+$0x20 ss:$0x1], $0xffff;
	s28 =	simm.s32 $0x200;
	v19 =	vsel vm1, v18, v18;
	vm0 =	vlt.f32 v17, v20;
	v17 =	vmin.f32 v20, v17  }
.LBB2_16:
0x130: {  	p1 =	sne.s32 s29, $0x1F800;
	v37 =	vld.idx.msk [tilespmem:v14+s28+$0x30 ss:$0x1], $0xffff;
	v31 =	vsel vm0, v18, v31;
	vm0 =	vlt.f32 v32, v20;
	v20 =	vmin.f32 v20, v32  }
0x131: {  	v38 =	vld.idx.msk [tilespmem:v14+s28+$0xFFFFFFC0 ss:$0x1], $0xffff;
	v30 =	vsel vm0, v18, v30;
	vm0 =	vlt.f32 v33, v26;
	v26 =	vmin.f32 v26, v33  }
0x132: {  	v39 =	vld.idx.msk [tilespmem:v14+s28+$0xFFFFFFD0 ss:$0x1], $0xffff;
	v23 =	vsel vm0, v18, v23;
	vm0 =	vlt.f32 v34, v24;
	v24 =	vmin.f32 v24, v34  }
0x133: {  	v32 =	vld.idx.msk [tilespmem:v14+s28+$0xFFFFFFE0 ss:$0x1], $0xffff;
	v27 =	vsel vm0, v18, v27;
	vm0 =	vlt.f32 v35, v25;
	v25 =	vmin.f32 v25, v35  }
.Ltmp8:
0x134: {  	v33 =	vld.idx.msk [tilespmem:v14+s28+$0xFFFFFFF0 ss:$0x1], $0xffff;
	v21 =	vsel vm0, v18, v21;
	vm0 =	vlt.f32 v36, v28;
	v28 =	vmin.f32 v28, v36;
	(pc) =	sbr.rel @p1 .LBB2_16-.Ltmp8, $4  }
0x135: {  	v22 =	vmin.f32 v22, v16;
	v34 =	vld.idx.msk [tilespmem:v14+s28+$0x0 ss:$0x1], $0xffff;
	v29 =	vsel vm0, v18, v29  }
0x136: {  	vm0 =	vlt.f32 v37, v22;
	v18 =	vadd.s32 $0x1, v18;
	v16 =	vmov v37;
	v35 =	vld.idx.msk [tilespmem:v14+s28+$0x10 ss:$0x1], $0xffff  }
0x137: {  	vm1 =	vlt.f32 v38, v15;
	v15 =	vmin.f32 v15, v38;
	v13 =	vsel vm0, v18, v13;
	v36 =	vld.idx.msk [tilespmem:v14+s28+$0x20 ss:$0x1], $0xffff  }
0x138: {  	s28 =	sshra.s32 s29, $0x2;
	s29 =	sadd.s32 $0x800, s29;
	v19 =	vsel vm1, v18, v19;
	vm0 =	vlt.f32 v39, v17;
	v17 =	vmin.f32 v17, v39  }
0x139: {  	_ =	sdelay $0x3  }
0x13a: {  	vm1 =	vlt.f32 v32, v20;
	v37 =	vld.idx.msk [tilespmem:v14+s28+$0xFFFFFFC0 ss:$0x1], $0xffff  }
0x13b: {  	v31 =	vsel vm0, v18, v31;
	v61 =	vmin.f32 v20, v32;
	v62 =	vld.idx.msk [tilespmem:v14+s28+$0xFFFFFFD0 ss:$0x1], $0xffff;
	vm7 =	vlt.f32 v33, v26  }
0x13c: {  	v63 =	vmin.f32 v26, v33;
	v42 =	vadd.s32 $0x1, v18;
	v16 =	vmin.f32 v22, v16  }
0x13d: {  	v30 =	vsel vm1, v18, v30;
	vm8 =	vlt.f32 v34, v24;
	v23 =	vsel vm7, v18, v23  }
0x13e: {  	v38 =	vmin.f32 v24, v34;
	v27 =	vsel vm8, v18, v27;
	vm9 =	vlt.f32 v35, v25  }
0x13f: {  	v40 =	vld.idx.msk [tilespmem:v14+s28+$0xFFFFFFE0 ss:$0x1], $0xffff;
	v39 =	vmin.f32 v25, v35;
	vm10 =	vlt.f32 v36, v28;
	v21 =	vsel vm9, v18, v21  }
0x140: {  	v41 =	vmin.f32 v28, v36;
	vm11 =	vlt.f32 v37, v15;
	vm12 =	vlt.f32 v62, v17  }
0x141: {  	v29 =	vsel vm10, v18, v29;
	v19 =	vsel vm11, v42, v19;
	v43 =	vsel vm12, v42, v31  }
0x142: {  	v15 =	vmin.f32 v15, v37;
	v19 =	vshll.u32 v19, $0x7;
	v22 =	vshll.u32 v43, $0x7  }
0x143: {  	v44 =	vld.idx.msk [tilespmem:v14+s28+$0xFFFFFFF0 ss:$0x1], $0xffff;
	v45 =	vmin.f32 v17, v62;
	v19 =	vor.u32 v0, v19;
	v22 =	vor.u32 v1, v22  }
0x144: {  	vm13 =	vlt.f32 v40, v61;
	vm14 =	veq.f32 v45, v15;
	vm2 =	vlt.s32 v22, v19  }
0x145: {  	v30 =	vsel vm13, v42, v30;
	vm15 =	vlt.f32 v45, v15;
	vm1 =	vmand vm14, vm2  }
0x146: {  	v20 =	vmin.f32 v61, v40;
	v30 =	vshll.u32 v30, $0x7;
	vm0 =	vmor vm15, vm1  }
0x147: {  	v46 =	vld.idx.msk [tilespmem:v14+s28+$0x0 ss:$0x1], $0xffff;
	v48 =	vor.u32 v2, v30;
	v15 =	vsel vm0, v45, v15;
	v47 =	vsel vm0, v22, v19  }
0x148: {  	vm4 =	vlt.f32 v44, v63;
	vm5 =	veq.f32 v20, v15;
	vm6 =	vlt.s32 v48, v47  }
0x149: {  	v49 =	vsel vm4, v42, v23;
	vm7 =	vlt.f32 v20, v15;
	vm1 =	vmand vm5, vm6  }
0x14a: {  	v50 =	vmin.f32 v63, v44;
	v22 =	vshll.u32 v49, $0x7;
	vm0 =	vmor vm7, vm1  }
0x14b: {  	v51 =	vld.idx.msk [tilespmem:v14+s28+$0x10 ss:$0x1], $0xffff;
	v52 =	vor.u32 v3, v22;
	v15 =	vsel vm0, v20, v15;
	v17 =	vsel vm0, v48, v47  }
0x14c: {  	vm8 =	vlt.f32 v46, v38;
	vm9 =	veq.f32 v50, v15;
	vm10 =	vlt.s32 v52, v17  }
0x14d: {  	v53 =	vsel vm8, v42, v27;
	vm11 =	vlt.f32 v50, v15;
	vm1 =	vmand vm9, vm10  }
0x14e: {  	v54 =	vmin.f32 v38, v46;
	v20 =	vshll.u32 v53, $0x7;
	vm0 =	vmor vm11, vm1  }
0x14f: {  	v55 =	vld.idx.msk [tilespmem:v14+s28+$0x20 ss:$0x1], $0xffff;
	v56 =	vor.u32 v4, v20;
	v15 =	vsel vm0, v50, v15;
	v17 =	vsel vm0, v52, v17  }
0x150: {  	vm12 =	vlt.f32 v51, v39;
	vm13 =	veq.f32 v54, v15;
	vm14 =	vlt.s32 v56, v17  }
0x151: {  	v57 =	vsel vm12, v42, v21;
	vm15 =	vlt.f32 v54, v15;
	vm1 =	vmand vm13, vm14  }
0x152: {  	v58 =	vmin.f32 v39, v51;
	v20 =	vshll.u32 v57, $0x7;
	vm0 =	vmor vm15, vm1  }
0x153: {  	v14 =	vld.idx.msk [tilespmem:v14+s28+$0x30 ss:$0x1], $0xffff;
	v59 =	vor.u32 v5, v20;
	v15 =	vsel vm0, v54, v15;
	v17 =	vsel vm0, v56, v17  }
0x154: {  	vm4 =	vlt.f32 v55, v41;
	vm5 =	veq.f32 v58, v15;
	vm6 =	vlt.s32 v59, v17  }
0x155: {  	v60 =	vsel vm4, v42, v29;
	vm7 =	vlt.f32 v58, v15;
	vm1 =	vmand vm5, vm6  }
0x156: {  	v61 =	vmin.f32 v41, v55;
	v20 =	vshll.u32 v60, $0x7;
	vm0 =	vmor vm7, vm1  }
0x157: {  	v62 =	vor.u32 v6, v20;
	v15 =	vsel vm0, v58, v15;
	v17 =	vsel vm0, v59, v17  }
0x158: {  	vm8 =	vlt.f32 v14, v16;
	vm9 =	veq.f32 v61, v15;
	vm10 =	vlt.s32 v62, v17  }
0x159: {  	v13 =	vsel vm8, v42, v13;
	vm11 =	vlt.f32 v61, v15;
	vm1 =	vmand vm9, vm10  }
0x15a: {  	v14 =	vmin.f32 v16, v14;
	v13 =	vshll.u32 v13, $0x7;
	vm0 =	vmor vm11, vm1  }
0x15b: {  	v13 =	vor.u32 v7, v13;
	v15 =	vsel vm0, v61, v15;
	v63 =	vsel vm0, v62, v17  }
0x15c: {  	vm12 =	veq.f32 v14, v15;
	vm13 =	vlt.s32 v13, v63  }
0x15d: {  	vm14 =	vlt.f32 v14, v15;
	vm0 =	vmand vm12, vm13  }
0x15e: {  	vm0 =	vmor vm14, vm0  }
0x15f: {  	v14 =	vsel vm0, v14, v15;
	v13 =	vsel vm0, v13, v63  }
0x160: {  	v15 =	vperm.xlane v14, v8;
	v16 =	vperm.xlane v13, v8;
	_ =	sdelay $0x1  }
0x161: {  	vm15 =	veq.f32 v15, v14;
	vm4 =	vlt.s32 v16, v13  }
0x162: {  	vm5 =	vlt.f32 v15, v14;
	vm0 =	vmand vm15, vm4  }
0x163: {  	vm0 =	vmor vm5, vm0  }
0x164: {  	v14 =	vsel vm0, v15, v14;
	v13 =	vsel vm0, v16, v13  }
0x165: {  	v15 =	vperm.xlane v14, v9;
	v16 =	vperm.xlane v13, v9;
	_ =	sdelay $0x1  }
0x166: {  	vm6 =	veq.f32 v15, v14;
	vm7 =	vlt.s32 v16, v13  }
0x167: {  	vm8 =	vlt.f32 v15, v14;
	vm0 =	vmand vm6, vm7  }
0x168: {  	vm0 =	vmor vm8, vm0  }
0x169: {  	v14 =	vsel vm0, v15, v14;
	v13 =	vsel vm0, v16, v13  }
0x16a: {  	v15 =	vperm.xlane v14, v10;
	v16 =	vperm.xlane v13, v10;
	_ =	sdelay $0x1  }
0x16b: {  	vm9 =	veq.f32 v15, v14;
	vm10 =	vlt.s32 v16, v13  }
0x16c: {  	vm11 =	vlt.f32 v15, v14;
	vm0 =	vmand vm9, vm10  }
0x16d: {  	vm0 =	vmor vm11, vm0  }
0x16e: {  	v14 =	vsel vm0, v15, v14;
	v13 =	vsel vm0, v16, v13  }
0x16f: {  	s31 =	sor.u32 $0xC, s25;
	s25 =	sadd.s32 $0x1, s25;
	v15 =	vperm.xlane v14, v11;
	v16 =	vperm.xlane v13, v11  }
0x170: {  	p1 =	sne.s32 s25, $0x4  }
.Ltmp9:
0x171: {  	vm12 =	veq.f32 v15, v14;
	vm13 =	vlt.s32 v16, v13;
	(pc) =	sbr.rel @p1 .LBB2_15-.Ltmp9, $4  }
0x172: {  	vm14 =	vlt.f32 v15, v14;
	vm0 =	vmand vm12, vm13  }
0x173: {  	v14 =	vmov s31;
	vm0 =	vmor vm14, vm0  }
0x174: {  	vm15 =	veq.s32 v14, v0;
	v13 =	vsel vm0, v16, v13  }
0x175: {  	s26 =	sadd.s32 $0x80, s26;
	v12 =	vsel vm15, v13, v12  }
.Ltmp10:
0x176: {  	(pc) =	sbr.rel @p0 .LBB2_20-.Ltmp10, $1  }
0x177: {  	_ =	sdelay $0x3  }
0x178: {  	s24 =	sadd.s32 s24, s9  }
.Ltmp11:
0x179: {  	s24 =	sshrl.u32 s24, $0x3;
	(pc) =	sbr.rel .LBB2_2-.Ltmp11, $4  }
0x17a: {  	s31 =	sshll.u32 s23, $0x4;
	s24 =	sadd.s32 s24, s5  }
0x17b: {  	[tilespmem:s14], [sflag:$0x2] =	stream.strided.gather [hbm4b:s24+s12], $0x8000, s13, s12, $0x38;
	[tilespmem:$0x10100] =	vst v63  }
0x17c: {  	s24 =	sand.u32 $0x3FFFFFF0, s31  }
0x17d: {  	s23 =	sadd.s32 $0x1, s23;
	[tilespmem:s24+$0x10000] =	vst v12  }
.LBB2_21:
0x17e: {  	_ =	sfence.sel $0x180000  }
0x17f: {  	[bflag:$0x0] =	sbarrier.arrive $0xFFFF  }
0x180: {  	p0 =	sne.s32 s2, $0x0;
	_ =	strace $0x90000047  }
0x181: {  	s0 =	sadd.s32 @!p0 $0x100000, s4;
	[bflag:$0x2] =	sbarrier.arrive $0xFFFF  }
0x182: {  	[sflag:s0] =	ssyncadd.tile.s32 @!p0 $0x1;
	_ =	shalt  }
.Lfunc_end2:
_tile_overlayer_lowered:
.L_overlay_start_2:
0x183: {  	(tag) =	ssettag $0x2  }
0x184: {  	s0 =	rddreg [dreg:$0x0];
	s2 =	stileid.u32  }
0x185: {  	s1 =	rddreg [dreg:$0x1];
	p0 =	sne.s32 s2, $0x0  }
0x186: {  	s3 =	rddreg [dreg:$0x2];
	[bflag:$0x3] =	sbarrier.arrive $0xFFFF;
	s2 =	simm.s32 @!p0 $0x1C04  }
0x187: {  	[timem:s3], [sflag:s2] =	dma.local @!p0 [hbm:s0], s1  }
0x188: {  	s0 =	simm.s32 @!p0 $0x4  }
0x189: {  	_ =	swait.ge @!p0 [sflag:s0], s1  }
0x18a: {  	s1 =	ssub.s32 @!p0 $0x0, s1;
	[sflag:s0] =	ssyncset.done @!p0 $0x0  }
0x18b: {  	[sflag:s0] =	ssyncadd.s32 @!p0 s1  }
0x18c: {  	[bflag:$0x3] =	sbarrier.arrive $0xFFFF  }
0x18d: {  	_ =	shalt  }

</sc_bundles>
